<compile_context>
chip_gen: v7x
topology: tpu7x:2x2x1
jax: 0.10.2.dev20260603
libtpu: 0.0.44.dev20260713+nightly
codegen_flags: <defaults>
</compile_context>

<pallas_src>
import functools

import jax
import jax.numpy as jnp
from jax import lax
from jax.experimental import pallas as pl
from jax.experimental.pallas import tpu as pltpu
from jax.experimental.pallas import tpu_sc as plsc

_NUM_CORES = 2
_NUM_SUBCORES = 16
_NW = _NUM_CORES * _NUM_SUBCORES
_BLK = 8
_NBUF = 4
_REP = 4
_SEQ_TC = 10
_G = 512


def _tc_body(idx_ref, hi_ref, lo_ref, _sc_ref, o_ref):
    idx = idx_ref[0, 0, :]
    vocab = hi_ref.shape[0]
    onehot = (idx[:, None] ==
              lax.broadcasted_iota(jnp.int32, (idx.shape[0], vocab), 1))
    oh = onehot.astype(jnp.bfloat16)
    acc = jnp.dot(oh, hi_ref[...], preferred_element_type=jnp.float32)
    acc = acc + jnp.dot(oh, lo_ref[...], preferred_element_type=jnp.float32)
    o_ref[0] = acc


def kernel(prefix, embedding_weight):
    batch, seq = prefix.shape
    vocab, row_dim = embedding_weight.shape
    bpw = batch // _NW
    nh = bpw // _BLK
    seq_sc = seq - _SEQ_TC

    idx_t = prefix.T

    table_rep = jnp.tile(embedding_weight, (_REP, 1))
    rep_off = ((jnp.arange(batch, dtype=jnp.int32) // bpw) % _REP) * vocab
    idx_sc = idx_t + rep_off[None, :]

    mesh = plsc.VectorSubcoreMesh(core_axis_name="c", subcore_axis_name="s")

    @functools.partial(
        pl.kernel,
        mesh=mesh,
        out_type=jax.ShapeDtypeStruct((seq, batch, row_dim), jnp.float32),
        scratch_types=[
            pltpu.VMEM((seq, 128), jnp.int32),
        ] + [pltpu.VMEM((_BLK, row_dim), jnp.float32)] * _NBUF
          + [pltpu.SemaphoreType.DMA] * (2 * _NBUF),
    )
    def sc_gather(table_hbm, idx_hbm, out_hbm, idx_v, *bufs_sems):
        bufs = bufs_sems[:_NBUF]
        gsems = bufs_sems[_NBUF:2 * _NBUF]
        wsems = bufs_sems[2 * _NBUF:]
        wid = lax.axis_index("s") * _NUM_CORES + lax.axis_index("c")
        base = wid * bpw
        pltpu.sync_copy(idx_hbm.at[:, pl.ds((wid // 4) * 128, 128)], idx_v)
        col0 = (wid % 4) * bpw

        n_items = seq_sc * nh

        def g_copy(t, b):
            s, q = _SEQ_TC + t // nh, t % nh
            return pltpu.make_async_copy(
                table_hbm.at[idx_v.at[s, pl.ds(col0 + q * _BLK, _BLK)]],
                bufs[b], gsems[b])

        def w_copy(t, b):
            s, q = _SEQ_TC + t // nh, t % nh
            return pltpu.make_async_copy(
                bufs[b], out_hbm.at[s, pl.ds(base + q * _BLK, _BLK)],
                wsems[b])

        for b in range(_NBUF):
            g_copy(b, b).start()

        @pl.loop(0, n_items - _NBUF, step=_NBUF)
        def _(t):
            for b in range(_NBUF):
                g_copy(t + b, b).wait()
                w_copy(t + b, b).start()
            for b in range(_NBUF):
                w_copy(t + b, b).wait()
                g_copy(t + b + _NBUF, b).start()

        t_last = n_items - _NBUF
        for b in range(_NBUF):
            g_copy(t_last + b, b).wait()
            w_copy(t_last + b, b).start()
        for b in range(_NBUF):
            w_copy(t_last + b, b).wait()

    out_sc = sc_gather(table_rep, idx_sc)

    hi = embedding_weight.astype(jnp.bfloat16)
    lo = (embedding_weight - hi.astype(jnp.float32)).astype(jnp.bfloat16)
    idx_tc = idx_t[:_SEQ_TC].reshape(_SEQ_TC, 1, batch)
    out_t = pl.pallas_call(
        _tc_body,
        grid=(_SEQ_TC, batch // _G),
        in_specs=[
            pl.BlockSpec((1, 1, _G), lambda s, g: (s, 0, g)),
            pl.BlockSpec((vocab, row_dim), lambda s, g: (0, 0)),
            pl.BlockSpec((vocab, row_dim), lambda s, g: (0, 0)),
            pl.BlockSpec(memory_space=pl.ANY),
        ],
        out_specs=pl.BlockSpec((1, _G, row_dim), lambda s, g: (s, g, 0)),
        out_shape=jax.ShapeDtypeStruct((seq, batch, row_dim), jnp.float32),
        input_output_aliases={3: 0},
    )(idx_tc, hi, lo, out_sc)

    return out_t.transpose(1, 0, 2)

# --- scband reference (transcript-rebuilt; emitter-appended) ---
"""Pipeline reference for scband-prefix-encoder-20710332301930 (READ-ONLY COPY).

The authoritative reference and input builder live on the scoring server;
editing this copy changes nothing except your own understanding.
"""

import jax, jax.numpy as jnp
import numpy as np

PREFIX_LENGTH = 200
ENCODER_EMBED_DIM = 128
ENCODER_LAYERS = 12
ROW_DIM = ENCODER_LAYERS * 2 * ENCODER_EMBED_DIM  # 3072
BATCH = 1024
SEQ = 20


def setup_inputs(seed: int = 0) -> dict:
    key = jax.random.key(seed)
    k1, k2 = jax.random.split(key)
    prefix = jax.random.randint(k1, (BATCH, SEQ), 0, PREFIX_LENGTH, dtype=jnp.int32)
    embedding_weight = jax.random.normal(k2, (PREFIX_LENGTH, ROW_DIM), dtype=jnp.float32) * 0.02
    return {"prefix": prefix, "embedding_weight": embedding_weight}


def reference(prefix, embedding_weight):
    # PrefixEncoder with prefix_projection=False: a single embedding lookup
    # output shape: (batch, prefix_len, 2*layers*hidden)
    past_key_values = jnp.take(embedding_weight, prefix, axis=0)
    return past_key_values

if __name__ == "__main__":
    import jax
    _d = setup_inputs()
    print(jax.jit(kernel)(*tuple(_d.values())))

</pallas_src>

<mosaic_0001>
#map = affine_map<(d0, d1) -> (0, 0)>
#map1 = affine_map<(d0, d1) -> (0, 0, 0)>
module attributes {stable_mosaic.version = 14 : i64} {
  func.func @sc_gather(%arg0: i32, %arg1: i32, %arg2: memref<800x3072xf32, #tpu.memory_space<hbm>>, %arg3: memref<20x1024xi32, #tpu.memory_space<hbm>>, %arg4: memref<20x1024x3072xf32, #tpu.memory_space<hbm>>, %arg5: memref<20x128xi32, #tpu.memory_space<vmem>>, %arg6: memref<8x3072xf32, #tpu.memory_space<vmem>>, %arg7: memref<8x3072xf32, #tpu.memory_space<vmem>>, %arg8: memref<8x3072xf32, #tpu.memory_space<vmem>>, %arg9: memref<8x3072xf32, #tpu.memory_space<vmem>>, %arg10: memref<!tpu.dma_semaphore, #tpu.memory_space<semaphore_mem>>, %arg11: memref<!tpu.dma_semaphore, #tpu.memory_space<semaphore_mem>>, %arg12: memref<!tpu.dma_semaphore, #tpu.memory_space<semaphore_mem>>, %arg13: memref<!tpu.dma_semaphore, #tpu.memory_space<semaphore_mem>>, %arg14: memref<!tpu.dma_semaphore, #tpu.memory_space<semaphore_mem>>, %arg15: memref<!tpu.dma_semaphore, #tpu.memory_space<semaphore_mem>>, %arg16: memref<!tpu.dma_semaphore, #tpu.memory_space<semaphore_mem>>, %arg17: memref<!tpu.dma_semaphore, #tpu.memory_space<semaphore_mem>>) attributes {dimension_semantics = [#tpu.dimension_semantics<core_parallel>, #tpu.dimension_semantics<subcore_parallel>], iteration_bounds = array<i64: 2, 16>, scalar_prefetch = 0 : i64, scratch_operands = 13 : i64, tpu.core_type = #tpu.core_type<sc_vector_subcore>, window_params = [{transform_indices = #map}, {transform_indices = #map}, {transform_indices = #map1}]} {
    %mul3A = arith.constant 2 : i32
    %mul3A_0 = arith.muli %arg1, %mul3A : i32
    %add3A = arith.addi %mul3A_0, %arg0 : i32
    %mul3A_1 = arith.constant 32 : i32
    %mul3A_2 = arith.muli %add3A, %mul3A_1 : i32
    %jit3A = arith.constant 4 : i32
    %div3A = arith.divsi %add3A, %jit3A : i32
    %sign3A = arith.constant 0 : i32
    %sign3A_3 = arith.cmpi sgt, %add3A, %sign3A : i32
    %sign3A_4 = arith.extui %sign3A_3 : i1 to i32
    %sign3A_5 = arith.constant 0 : i32
    %sign3A_6 = arith.cmpi slt, %add3A, %sign3A_5 : i32
    %sign3A_7 = arith.extui %sign3A_6 : i1 to i32
    %sign3A_8 = arith.subi %sign3A_4, %sign3A_7 : i32
    %sign3A_9 = arith.constant 0 : i32
    %sign3A_10 = arith.cmpi sgt, %jit3A, %sign3A_9 : i32
    %sign3A_11 = arith.extui %sign3A_10 : i1 to i32
    %sign3A_12 = arith.constant 0 : i32
    %sign3A_13 = arith.cmpi slt, %jit3A, %sign3A_12 : i32
    %sign3A_14 = arith.extui %sign3A_13 : i1 to i32
    %sign3A_15 = arith.subi %sign3A_11, %sign3A_14 : i32
    %ne3A = arith.cmpi ne, %sign3A_8, %sign3A_15 : i32
    %rem3A = arith.remsi %add3A, %jit3A : i32
    %ne3A_16 = arith.constant 0 : i32
    %ne3A_17 = arith.cmpi ne, %rem3A, %ne3A_16 : i32
    %and3A = arith.andi %ne3A, %ne3A_17 : i1
    %sub3A = arith.constant 1 : i32
    %sub3A_18 = arith.subi %div3A, %sub3A : i32
    %select_n3A = arith.select %and3A, %sub3A_18, %div3A : i32
    %mul3A_19 = arith.constant 128 : i32
    %mul3A_20 = arith.muli %select_n3A, %mul3A_19 : i32
    "tpu.region"() ({
      %run_scoped3A = tpu.sem_alloc : memref<!tpu.dma_semaphore, #tpu.memory_space<semaphore_mem>>
      %dma_start3A_175 = arith.constant 0 : i32
      %dma_start3A_176 = tpu.memref_slice %arg3[%dma_start3A_175, %mul3A_20] : memref<20x1024xi32, #tpu.memory_space<hbm>> -> memref<20x128xi32, #tpu.memory_space<hbm>>
      %dma_start3A_177 = arith.constant 0 : i32
      %dma_start3A_178 = tpu.memref_slice %arg3[%dma_start3A_177, %mul3A_20] : memref<20x1024xi32, #tpu.memory_space<hbm>> -> memref<20x128xi32, #tpu.memory_space<hbm>>
      tpu.enqueue_dma source(%dma_start3A_178 : memref<20x128xi32, #tpu.memory_space<hbm>>) target(%arg5 : memref<20x128xi32, #tpu.memory_space<vmem>>) target_semaphore(%run_scoped3A : memref<!tpu.dma_semaphore, #tpu.memory_space<semaphore_mem>>)
      %dma_wait3A_179 = arith.constant 0 : i32
      %dma_wait3A_180 = tpu.memref_slice %arg3[%dma_wait3A_179, %mul3A_20] : memref<20x1024xi32, #tpu.memory_space<hbm>> -> memref<20x128xi32, #tpu.memory_space<hbm>>
      %dma_wait3A_181 = arith.constant 0 : i32
      %dma_wait3A_182 = tpu.memref_slice %arg3[%dma_wait3A_181, %mul3A_20] : memref<20x1024xi32, #tpu.memory_space<hbm>> -> memref<20x128xi32, #tpu.memory_space<hbm>>
      tpu.wait_dma2 semaphore(%run_scoped3A : memref<!tpu.dma_semaphore, #tpu.memory_space<semaphore_mem>>) src(%dma_wait3A_182 : memref<20x128xi32, #tpu.memory_space<hbm>>) dst(%arg5 : memref<20x128xi32, #tpu.memory_space<vmem>>)
      tpu.yield
    }) : () -> ()
    %jit3A_21 = arith.constant 4 : i32
    %eq3A = arith.constant 0 : i32
    %eq3A_22 = arith.cmpi eq, %jit3A_21, %eq3A : i32
    %jit3A_23 = arith.constant 1 : i32
    %select_n3A_24 = arith.select %eq3A_22, %jit3A_23, %jit3A_21 : i32
    %rem3A_25 = arith.remsi %add3A, %select_n3A_24 : i32
    %ne3A_26 = arith.constant 0 : i32
    %ne3A_27 = arith.cmpi ne, %rem3A_25, %ne3A_26 : i32
    %lt3A = arith.constant 0 : i32
    %lt3A_28 = arith.cmpi slt, %rem3A_25, %lt3A : i32
    %lt3A_29 = arith.constant 0 : i32
    %lt3A_30 = arith.cmpi slt, %select_n3A_24, %lt3A_29 : i32
    %ne3A_31 = arith.xori %lt3A_28, %lt3A_30 : i1
    %and3A_32 = arith.andi %ne3A_31, %ne3A_27 : i1
    %add3A_33 = arith.addi %rem3A_25, %select_n3A_24 : i32
    %select_n3A_34 = arith.select %and3A_32, %add3A_33, %rem3A_25 : i32
    %mul3A_35 = arith.constant 32 : i32
    %mul3A_36 = arith.muli %select_n3A_34, %mul3A_35 : i32
    %add3A_37 = arith.constant 0 : i32
    %add3A_38 = arith.addi %mul3A_36, %add3A_37 : i32
    %dma_start3A = arith.constant 10 : i32
    %dma_start3A_39 = tpu.memref_slice %arg5[%dma_start3A, %add3A_38] : memref<20x128xi32, #tpu.memory_space<vmem>> -> memref<1x8xi32, #tpu.memory_space<vmem>>
    %dma_start3A_40 = tpu.memref_squeeze %dma_start3A_39 : memref<1x8xi32, #tpu.memory_space<vmem>> -> memref<8xi32, #tpu.memory_space<vmem>>
    %dma_start3A_41 = arith.constant 0 : i32
    %dma_start3A_42 = arith.constant 0 : i32
    %dma_start3A_43 = tpu.memref_slice %arg2[%dma_start3A_41, %dma_start3A_42] : memref<800x3072xf32, #tpu.memory_space<hbm>> -> memref<800x3072xf32, #tpu.memory_space<hbm>>
    tpu.enqueue_indirect_dma source(%dma_start3A_43 : memref<800x3072xf32, #tpu.memory_space<hbm>>) target(%arg6 : memref<8x3072xf32, #tpu.memory_space<vmem>>) offsets(%dma_start3A_40 : memref<8xi32, #tpu.memory_space<vmem>>) semaphore(%arg10 : memref<!tpu.dma_semaphore, #tpu.memory_space<semaphore_mem>>)
    %add3A_44 = arith.constant 8 : i32
    %add3A_45 = arith.addi %mul3A_36, %add3A_44 : i32
    %dma_start3A_46 = arith.constant 10 : i32
    %dma_start3A_47 = tpu.memref_slice %arg5[%dma_start3A_46, %add3A_45] : memref<20x128xi32, #tpu.memory_space<vmem>> -> memref<1x8xi32, #tpu.memory_space<vmem>>
    %dma_start3A_48 = tpu.memref_squeeze %dma_start3A_47 : memref<1x8xi32, #tpu.memory_space<vmem>> -> memref<8xi32, #tpu.memory_space<vmem>>
    %dma_start3A_49 = arith.constant 0 : i32
    %dma_start3A_50 = arith.constant 0 : i32
    %dma_start3A_51 = tpu.memref_slice %arg2[%dma_start3A_49, %dma_start3A_50] : memref<800x3072xf32, #tpu.memory_space<hbm>> -> memref<800x3072xf32, #tpu.memory_space<hbm>>
    tpu.enqueue_indirect_dma source(%dma_start3A_51 : memref<800x3072xf32, #tpu.memory_space<hbm>>) target(%arg7 : memref<8x3072xf32, #tpu.memory_space<vmem>>) offsets(%dma_start3A_48 : memref<8xi32, #tpu.memory_space<vmem>>) semaphore(%arg11 : memref<!tpu.dma_semaphore, #tpu.memory_space<semaphore_mem>>)
    %add3A_52 = arith.constant 16 : i32
    %add3A_53 = arith.addi %mul3A_36, %add3A_52 : i32
    %dma_start3A_54 = arith.constant 10 : i32
    %dma_start3A_55 = tpu.memref_slice %arg5[%dma_start3A_54, %add3A_53] : memref<20x128xi32, #tpu.memory_space<vmem>> -> memref<1x8xi32, #tpu.memory_space<vmem>>
    %dma_start3A_56 = tpu.memref_squeeze %dma_start3A_55 : memref<1x8xi32, #tpu.memory_space<vmem>> -> memref<8xi32, #tpu.memory_space<vmem>>
    %dma_start3A_57 = arith.constant 0 : i32
    %dma_start3A_58 = arith.constant 0 : i32
    %dma_start3A_59 = tpu.memref_slice %arg2[%dma_start3A_57, %dma_start3A_58] : memref<800x3072xf32, #tpu.memory_space<hbm>> -> memref<800x3072xf32, #tpu.memory_space<hbm>>
    tpu.enqueue_indirect_dma source(%dma_start3A_59 : memref<800x3072xf32, #tpu.memory_space<hbm>>) target(%arg8 : memref<8x3072xf32, #tpu.memory_space<vmem>>) offsets(%dma_start3A_56 : memref<8xi32, #tpu.memory_space<vmem>>) semaphore(%arg12 : memref<!tpu.dma_semaphore, #tpu.memory_space<semaphore_mem>>)
    %add3A_60 = arith.constant 24 : i32
    %add3A_61 = arith.addi %mul3A_36, %add3A_60 : i32
    %dma_start3A_62 = arith.constant 10 : i32
    %dma_start3A_63 = tpu.memref_slice %arg5[%dma_start3A_62, %add3A_61] : memref<20x128xi32, #tpu.memory_space<vmem>> -> memref<1x8xi32, #tpu.memory_space<vmem>>
    %dma_start3A_64 = tpu.memref_squeeze %dma_start3A_63 : memref<1x8xi32, #tpu.memory_space<vmem>> -> memref<8xi32, #tpu.memory_space<vmem>>
    %dma_start3A_65 = arith.constant 0 : i32
    %dma_start3A_66 = arith.constant 0 : i32
    %dma_start3A_67 = tpu.memref_slice %arg2[%dma_start3A_65, %dma_start3A_66] : memref<800x3072xf32, #tpu.memory_space<hbm>> -> memref<800x3072xf32, #tpu.memory_space<hbm>>
    tpu.enqueue_indirect_dma source(%dma_start3A_67 : memref<800x3072xf32, #tpu.memory_space<hbm>>) target(%arg9 : memref<8x3072xf32, #tpu.memory_space<vmem>>) offsets(%dma_start3A_64 : memref<8xi32, #tpu.memory_space<vmem>>) semaphore(%arg13 : memref<!tpu.dma_semaphore, #tpu.memory_space<semaphore_mem>>)
    %scan3A = arith.constant 0 : i32
    %scan3A_68 = arith.constant 9 : i32
    %scan3A_69 = arith.addi %scan3A, %scan3A_68 : i32
    %scan3A_70 = arith.constant 1 : i32
    scf.for %scan3A_175 = %scan3A to %scan3A_69 step %scan3A_70  : i32 {
      %mul3A_176 = arith.constant 4 : i32
      %mul3A_177 = arith.muli %scan3A_175, %mul3A_176 : i32
      %add3A_178 = arith.constant 0 : i32
      %add3A_179 = arith.addi %add3A_178, %mul3A_177 : i32
      %add3A_180 = arith.constant 0 : i32
      %add3A_181 = arith.addi %add3A_179, %add3A_180 : i32
      %jit3A_182 = arith.constant 4 : i32
      %div3A_183 = arith.divsi %add3A_181, %jit3A_182 : i32
      %sign3A_184 = arith.constant 0 : i32
      %sign3A_185 = arith.cmpi sgt, %add3A_181, %sign3A_184 : i32
      %sign3A_186 = arith.extui %sign3A_185 : i1 to i32
      %sign3A_187 = arith.constant 0 : i32
      %sign3A_188 = arith.cmpi slt, %add3A_181, %sign3A_187 : i32
      %sign3A_189 = arith.extui %sign3A_188 : i1 to i32
      %sign3A_190 = arith.subi %sign3A_186, %sign3A_189 : i32
      %sign3A_191 = arith.constant 0 : i32
      %sign3A_192 = arith.cmpi sgt, %jit3A_182, %sign3A_191 : i32
      %sign3A_193 = arith.extui %sign3A_192 : i1 to i32
      %sign3A_194 = arith.constant 0 : i32
      %sign3A_195 = arith.cmpi slt, %jit3A_182, %sign3A_194 : i32
      %sign3A_196 = arith.extui %sign3A_195 : i1 to i32
      %sign3A_197 = arith.subi %sign3A_193, %sign3A_196 : i32
      %ne3A_198 = arith.cmpi ne, %sign3A_190, %sign3A_197 : i32
      %rem3A_199 = arith.remsi %add3A_181, %jit3A_182 : i32
      %ne3A_200 = arith.constant 0 : i32
      %ne3A_201 = arith.cmpi ne, %rem3A_199, %ne3A_200 : i32
      %and3A_202 = arith.andi %ne3A_198, %ne3A_201 : i1
      %sub3A_203 = arith.constant 1 : i32
      %sub3A_204 = arith.subi %div3A_183, %sub3A_203 : i32
      %select_n3A_205 = arith.select %and3A_202, %sub3A_204, %div3A_183 : i32
      %add3A_206 = arith.constant 10 : i32
      %add3A_207 = arith.addi %add3A_206, %select_n3A_205 : i32
      %jit3A_208 = arith.constant 4 : i32
      %eq3A_209 = arith.constant 0 : i32
      %eq3A_210 = arith.cmpi eq, %jit3A_208, %eq3A_209 : i32
      %jit3A_211 = arith.constant 1 : i32
      %select_n3A_212 = arith.select %eq3A_210, %jit3A_211, %jit3A_208 : i32
      %rem3A_213 = arith.remsi %add3A_181, %select_n3A_212 : i32
      %ne3A_214 = arith.constant 0 : i32
      %ne3A_215 = arith.cmpi ne, %rem3A_213, %ne3A_214 : i32
      %lt3A_216 = arith.constant 0 : i32
      %lt3A_217 = arith.cmpi slt, %rem3A_213, %lt3A_216 : i32
      %lt3A_218 = arith.constant 0 : i32
      %lt3A_219 = arith.cmpi slt, %select_n3A_212, %lt3A_218 : i32
      %ne3A_220 = arith.xori %lt3A_217, %lt3A_219 : i1
      %and3A_221 = arith.andi %ne3A_220, %ne3A_215 : i1
      %add3A_222 = arith.addi %rem3A_213, %select_n3A_212 : i32
      %select_n3A_223 = arith.select %and3A_221, %add3A_222, %rem3A_213 : i32
      %mul3A_224 = arith.constant 8 : i32
      %mul3A_225 = arith.muli %select_n3A_223, %mul3A_224 : i32
      %add3A_226 = arith.addi %mul3A_36, %mul3A_225 : i32
      %dma_wait3A_227 = tpu.memref_slice %arg5[%add3A_207, %add3A_226] : memref<20x128xi32, #tpu.memory_space<vmem>> -> memref<1x8xi32, #tpu.memory_space<vmem>>
      %dma_wait3A_228 = tpu.memref_squeeze %dma_wait3A_227 : memref<1x8xi32, #tpu.memory_space<vmem>> -> memref<8xi32, #tpu.memory_space<vmem>>
      %dma_wait3A_229 = arith.constant 0 : i32
      %dma_wait3A_230 = arith.constant 0 : i32
      %dma_wait3A_231 = tpu.memref_slice %arg2[%dma_wait3A_229, %dma_wait3A_230] : memref<800x3072xf32, #tpu.memory_space<hbm>> -> memref<800x3072xf32, #tpu.memory_space<hbm>>
      tpu.wait_indirect_dma semaphore(%arg10 : memref<!tpu.dma_semaphore, #tpu.memory_space<semaphore_mem>>) src(%dma_wait3A_231 : memref<800x3072xf32, #tpu.memory_space<hbm>>) dst(%arg6 : memref<8x3072xf32, #tpu.memory_space<vmem>>)
      %add3A_232 = arith.constant 0 : i32
      %add3A_233 = arith.addi %add3A_179, %add3A_232 : i32
      %jit3A_234 = arith.constant 4 : i32
      %div3A_235 = arith.divsi %add3A_233, %jit3A_234 : i32
      %sign3A_236 = arith.constant 0 : i32
      %sign3A_237 = arith.cmpi sgt, %add3A_233, %sign3A_236 : i32
      %sign3A_238 = arith.extui %sign3A_237 : i1 to i32
      %sign3A_239 = arith.constant 0 : i32
      %sign3A_240 = arith.cmpi slt, %add3A_233, %sign3A_239 : i32
      %sign3A_241 = arith.extui %sign3A_240 : i1 to i32
      %sign3A_242 = arith.subi %sign3A_238, %sign3A_241 : i32
      %sign3A_243 = arith.constant 0 : i32
      %sign3A_244 = arith.cmpi sgt, %jit3A_234, %sign3A_243 : i32
      %sign3A_245 = arith.extui %sign3A_244 : i1 to i32
      %sign3A_246 = arith.constant 0 : i32
      %sign3A_247 = arith.cmpi slt, %jit3A_234, %sign3A_246 : i32
      %sign3A_248 = arith.extui %sign3A_247 : i1 to i32
      %sign3A_249 = arith.subi %sign3A_245, %sign3A_248 : i32
      %ne3A_250 = arith.cmpi ne, %sign3A_242, %sign3A_249 : i32
      %rem3A_251 = arith.remsi %add3A_233, %jit3A_234 : i32
      %ne3A_252 = arith.constant 0 : i32
      %ne3A_253 = arith.cmpi ne, %rem3A_251, %ne3A_252 : i32
      %and3A_254 = arith.andi %ne3A_250, %ne3A_253 : i1
      %sub3A_255 = arith.constant 1 : i32
      %sub3A_256 = arith.subi %div3A_235, %sub3A_255 : i32
      %select_n3A_257 = arith.select %and3A_254, %sub3A_256, %div3A_235 : i32
      %add3A_258 = arith.constant 10 : i32
      %add3A_259 = arith.addi %add3A_258, %select_n3A_257 : i32
      %jit3A_260 = arith.constant 4 : i32
      %eq3A_261 = arith.constant 0 : i32
      %eq3A_262 = arith.cmpi eq, %jit3A_260, %eq3A_261 : i32
      %jit3A_263 = arith.constant 1 : i32
      %select_n3A_264 = arith.select %eq3A_262, %jit3A_263, %jit3A_260 : i32
      %rem3A_265 = arith.remsi %add3A_233, %select_n3A_264 : i32
      %ne3A_266 = arith.constant 0 : i32
      %ne3A_267 = arith.cmpi ne, %rem3A_265, %ne3A_266 : i32
      %lt3A_268 = arith.constant 0 : i32
      %lt3A_269 = arith.cmpi slt, %rem3A_265, %lt3A_268 : i32
      %lt3A_270 = arith.constant 0 : i32
      %lt3A_271 = arith.cmpi slt, %select_n3A_264, %lt3A_270 : i32
      %ne3A_272 = arith.xori %lt3A_269, %lt3A_271 : i1
      %and3A_273 = arith.andi %ne3A_272, %ne3A_267 : i1
      %add3A_274 = arith.addi %rem3A_265, %select_n3A_264 : i32
      %select_n3A_275 = arith.select %and3A_273, %add3A_274, %rem3A_265 : i32
      %mul3A_276 = arith.constant 8 : i32
      %mul3A_277 = arith.muli %select_n3A_275, %mul3A_276 : i32
      %add3A_278 = arith.addi %mul3A_2, %mul3A_277 : i32
      %dma_start3A_279 = arith.constant 0 : i32
      %dma_start3A_280 = tpu.memref_slice %arg4[%add3A_259, %add3A_278, %dma_start3A_279] : memref<20x1024x3072xf32, #tpu.memory_space<hbm>> -> memref<1x8x3072xf32, #tpu.memory_space<hbm>>
      %dma_start3A_281 = tpu.memref_squeeze %dma_start3A_280 : memref<1x8x3072xf32, #tpu.memory_space<hbm>> -> memref<8x3072xf32, #tpu.memory_space<hbm>>
      %dma_start3A_282 = arith.constant 0 : i32
      %dma_start3A_283 = tpu.memref_slice %arg4[%add3A_259, %add3A_278, %dma_start3A_282] : memref<20x1024x3072xf32, #tpu.memory_space<hbm>> -> memref<1x8x3072xf32, #tpu.memory_space<hbm>>
      %dma_start3A_284 = tpu.memref_squeeze %dma_start3A_283 : memref<1x8x3072xf32, #tpu.memory_space<hbm>> -> memref<8x3072xf32, #tpu.memory_space<hbm>>
      tpu.enqueue_dma source(%arg6 : memref<8x3072xf32, #tpu.memory_space<vmem>>) target(%dma_start3A_284 : memref<8x3072xf32, #tpu.memory_space<hbm>>) target_semaphore(%arg14 : memref<!tpu.dma_semaphore, #tpu.memory_space<semaphore_mem>>)
      %add3A_285 = arith.constant 1 : i32
      %add3A_286 = arith.addi %add3A_179, %add3A_285 : i32
      %jit3A_287 = arith.constant 4 : i32
      %div3A_288 = arith.divsi %add3A_286, %jit3A_287 : i32
      %sign3A_289 = arith.constant 0 : i32
      %sign3A_290 = arith.cmpi sgt, %add3A_286, %sign3A_289 : i32
      %sign3A_291 = arith.extui %sign3A_290 : i1 to i32
      %sign3A_292 = arith.constant 0 : i32
      %sign3A_293 = arith.cmpi slt, %add3A_286, %sign3A_292 : i32
      %sign3A_294 = arith.extui %sign3A_293 : i1 to i32
      %sign3A_295 = arith.subi %sign3A_291, %sign3A_294 : i32
      %sign3A_296 = arith.constant 0 : i32
      %sign3A_297 = arith.cmpi sgt, %jit3A_287, %sign3A_296 : i32
      %sign3A_298 = arith.extui %sign3A_297 : i1 to i32
      %sign3A_299 = arith.constant 0 : i32
      %sign3A_300 = arith.cmpi slt, %jit3A_287, %sign3A_299 : i32
      %sign3A_301 = arith.extui %sign3A_300 : i1 to i32
      %sign3A_302 = arith.subi %sign3A_298, %sign3A_301 : i32
      %ne3A_303 = arith.cmpi ne, %sign3A_295, %sign3A_302 : i32
      %rem3A_304 = arith.remsi %add3A_286, %jit3A_287 : i32
      %ne3A_305 = arith.constant 0 : i32
      %ne3A_306 = arith.cmpi ne, %rem3A_304, %ne3A_305 : i32
      %and3A_307 = arith.andi %ne3A_303, %ne3A_306 : i1
      %sub3A_308 = arith.constant 1 : i32
      %sub3A_309 = arith.subi %div3A_288, %sub3A_308 : i32
      %select_n3A_310 = arith.select %and3A_307, %sub3A_309, %div3A_288 : i32
      %add3A_311 = arith.constant 10 : i32
      %add3A_312 = arith.addi %add3A_311, %select_n3A_310 : i32
      %jit3A_313 = arith.constant 4 : i32
      %eq3A_314 = arith.constant 0 : i32
      %eq3A_315 = arith.cmpi eq, %jit3A_313, %eq3A_314 : i32
      %jit3A_316 = arith.constant 1 : i32
      %select_n3A_317 = arith.select %eq3A_315, %jit3A_316, %jit3A_313 : i32
      %rem3A_318 = arith.remsi %add3A_286, %select_n3A_317 : i32
      %ne3A_319 = arith.constant 0 : i32
      %ne3A_320 = arith.cmpi ne, %rem3A_318, %ne3A_319 : i32
      %lt3A_321 = arith.constant 0 : i32
      %lt3A_322 = arith.cmpi slt, %rem3A_318, %lt3A_321 : i32
      %lt3A_323 = arith.constant 0 : i32
      %lt3A_324 = arith.cmpi slt, %select_n3A_317, %lt3A_323 : i32
      %ne3A_325 = arith.xori %lt3A_322, %lt3A_324 : i1
      %and3A_326 = arith.andi %ne3A_325, %ne3A_320 : i1
      %add3A_327 = arith.addi %rem3A_318, %select_n3A_317 : i32
      %select_n3A_328 = arith.select %and3A_326, %add3A_327, %rem3A_318 : i32
      %mul3A_329 = arith.constant 8 : i32
      %mul3A_330 = arith.muli %select_n3A_328, %mul3A_329 : i32
      %add3A_331 = arith.addi %mul3A_36, %mul3A_330 : i32
      %dma_wait3A_332 = tpu.memref_slice %arg5[%add3A_312, %add3A_331] : memref<20x128xi32, #tpu.memory_space<vmem>> -> memref<1x8xi32, #tpu.memory_space<vmem>>
      %dma_wait3A_333 = tpu.memref_squeeze %dma_wait3A_332 : memref<1x8xi32, #tpu.memory_space<vmem>> -> memref<8xi32, #tpu.memory_space<vmem>>
      %dma_wait3A_334 = arith.constant 0 : i32
      %dma_wait3A_335 = arith.constant 0 : i32
      %dma_wait3A_336 = tpu.memref_slice %arg2[%dma_wait3A_334, %dma_wait3A_335] : memref<800x3072xf32, #tpu.memory_space<hbm>> -> memref<800x3072xf32, #tpu.memory_space<hbm>>
      tpu.wait_indirect_dma semaphore(%arg11 : memref<!tpu.dma_semaphore, #tpu.memory_space<semaphore_mem>>) src(%dma_wait3A_336 : memref<800x3072xf32, #tpu.memory_space<hbm>>) dst(%arg7 : memref<8x3072xf32, #tpu.memory_space<vmem>>)
      %add3A_337 = arith.constant 1 : i32
      %add3A_338 = arith.addi %add3A_179, %add3A_337 : i32
      %jit3A_339 = arith.constant 4 : i32
      %div3A_340 = arith.divsi %add3A_338, %jit3A_339 : i32
      %sign3A_341 = arith.constant 0 : i32
      %sign3A_342 = arith.cmpi sgt, %add3A_338, %sign3A_341 : i32
      %sign3A_343 = arith.extui %sign3A_342 : i1 to i32
      %sign3A_344 = arith.constant 0 : i32
      %sign3A_345 = arith.cmpi slt, %add3A_338, %sign3A_344 : i32
      %sign3A_346 = arith.extui %sign3A_345 : i1 to i32
      %sign3A_347 = arith.subi %sign3A_343, %sign3A_346 : i32
      %sign3A_348 = arith.constant 0 : i32
      %sign3A_349 = arith.cmpi sgt, %jit3A_339, %sign3A_348 : i32
      %sign3A_350 = arith.extui %sign3A_349 : i1 to i32
      %sign3A_351 = arith.constant 0 : i32
      %sign3A_352 = arith.cmpi slt, %jit3A_339, %sign3A_351 : i32
      %sign3A_353 = arith.extui %sign3A_352 : i1 to i32
      %sign3A_354 = arith.subi %sign3A_350, %sign3A_353 : i32
      %ne3A_355 = arith.cmpi ne, %sign3A_347, %sign3A_354 : i32
      %rem3A_356 = arith.remsi %add3A_338, %jit3A_339 : i32
      %ne3A_357 = arith.constant 0 : i32
      %ne3A_358 = arith.cmpi ne, %rem3A_356, %ne3A_357 : i32
      %and3A_359 = arith.andi %ne3A_355, %ne3A_358 : i1
      %sub3A_360 = arith.constant 1 : i32
      %sub3A_361 = arith.subi %div3A_340, %sub3A_360 : i32
      %select_n3A_362 = arith.select %and3A_359, %sub3A_361, %div3A_340 : i32
      %add3A_363 = arith.constant 10 : i32
      %add3A_364 = arith.addi %add3A_363, %select_n3A_362 : i32
      %jit3A_365 = arith.constant 4 : i32
      %eq3A_366 = arith.constant 0 : i32
      %eq3A_367 = arith.cmpi eq, %jit3A_365, %eq3A_366 : i32
      %jit3A_368 = arith.constant 1 : i32
      %select_n3A_369 = arith.select %eq3A_367, %jit3A_368, %jit3A_365 : i32
      %rem3A_370 = arith.remsi %add3A_338, %select_n3A_369 : i32
      %ne3A_371 = arith.constant 0 : i32
      %ne3A_372 = arith.cmpi ne, %rem3A_370, %ne3A_371 : i32
      %lt3A_373 = arith.constant 0 : i32
      %lt3A_374 = arith.cmpi slt, %rem3A_370, %lt3A_373 : i32
      %lt3A_375 = arith.constant 0 : i32
      %lt3A_376 = arith.cmpi slt, %select_n3A_369, %lt3A_375 : i32
      %ne3A_377 = arith.xori %lt3A_374, %lt3A_376 : i1
      %and3A_378 = arith.andi %ne3A_377, %ne3A_372 : i1
      %add3A_379 = arith.addi %rem3A_370, %select_n3A_369 : i32
      %select_n3A_380 = arith.select %and3A_378, %add3A_379, %rem3A_370 : i32
      %mul3A_381 = arith.constant 8 : i32
      %mul3A_382 = arith.muli %select_n3A_380, %mul3A_381 : i32
      %add3A_383 = arith.addi %mul3A_2, %mul3A_382 : i32
      %dma_start3A_384 = arith.constant 0 : i32
      %dma_start3A_385 = tpu.memref_slice %arg4[%add3A_364, %add3A_383, %dma_start3A_384] : memref<20x1024x3072xf32, #tpu.memory_space<hbm>> -> memref<1x8x3072xf32, #tpu.memory_space<hbm>>
      %dma_start3A_386 = tpu.memref_squeeze %dma_start3A_385 : memref<1x8x3072xf32, #tpu.memory_space<hbm>> -> memref<8x3072xf32, #tpu.memory_space<hbm>>
      %dma_start3A_387 = arith.constant 0 : i32
      %dma_start3A_388 = tpu.memref_slice %arg4[%add3A_364, %add3A_383, %dma_start3A_387] : memref<20x1024x3072xf32, #tpu.memory_space<hbm>> -> memref<1x8x3072xf32, #tpu.memory_space<hbm>>
      %dma_start3A_389 = tpu.memref_squeeze %dma_start3A_388 : memref<1x8x3072xf32, #tpu.memory_space<hbm>> -> memref<8x3072xf32, #tpu.memory_space<hbm>>
      tpu.enqueue_dma source(%arg7 : memref<8x3072xf32, #tpu.memory_space<vmem>>) target(%dma_start3A_389 : memref<8x3072xf32, #tpu.memory_space<hbm>>) target_semaphore(%arg15 : memref<!tpu.dma_semaphore, #tpu.memory_space<semaphore_mem>>)
      %add3A_390 = arith.constant 2 : i32
      %add3A_391 = arith.addi %add3A_179, %add3A_390 : i32
      %jit3A_392 = arith.constant 4 : i32
      %div3A_393 = arith.divsi %add3A_391, %jit3A_392 : i32
      %sign3A_394 = arith.constant 0 : i32
      %sign3A_395 = arith.cmpi sgt, %add3A_391, %sign3A_394 : i32
      %sign3A_396 = arith.extui %sign3A_395 : i1 to i32
      %sign3A_397 = arith.constant 0 : i32
      %sign3A_398 = arith.cmpi slt, %add3A_391, %sign3A_397 : i32
      %sign3A_399 = arith.extui %sign3A_398 : i1 to i32
      %sign3A_400 = arith.subi %sign3A_396, %sign3A_399 : i32
      %sign3A_401 = arith.constant 0 : i32
      %sign3A_402 = arith.cmpi sgt, %jit3A_392, %sign3A_401 : i32
      %sign3A_403 = arith.extui %sign3A_402 : i1 to i32
      %sign3A_404 = arith.constant 0 : i32
      %sign3A_405 = arith.cmpi slt, %jit3A_392, %sign3A_404 : i32
      %sign3A_406 = arith.extui %sign3A_405 : i1 to i32
      %sign3A_407 = arith.subi %sign3A_403, %sign3A_406 : i32
      %ne3A_408 = arith.cmpi ne, %sign3A_400, %sign3A_407 : i32
      %rem3A_409 = arith.remsi %add3A_391, %jit3A_392 : i32
      %ne3A_410 = arith.constant 0 : i32
      %ne3A_411 = arith.cmpi ne, %rem3A_409, %ne3A_410 : i32
      %and3A_412 = arith.andi %ne3A_408, %ne3A_411 : i1
      %sub3A_413 = arith.constant 1 : i32
      %sub3A_414 = arith.subi %div3A_393, %sub3A_413 : i32
      %select_n3A_415 = arith.select %and3A_412, %sub3A_414, %div3A_393 : i32
      %add3A_416 = arith.constant 10 : i32
      %add3A_417 = arith.addi %add3A_416, %select_n3A_415 : i32
      %jit3A_418 = arith.constant 4 : i32
      %eq3A_419 = arith.constant 0 : i32
      %eq3A_420 = arith.cmpi eq, %jit3A_418, %eq3A_419 : i32
      %jit3A_421 = arith.constant 1 : i32
      %select_n3A_422 = arith.select %eq3A_420, %jit3A_421, %jit3A_418 : i32
      %rem3A_423 = arith.remsi %add3A_391, %select_n3A_422 : i32
      %ne3A_424 = arith.constant 0 : i32
      %ne3A_425 = arith.cmpi ne, %rem3A_423, %ne3A_424 : i32
      %lt3A_426 = arith.constant 0 : i32
      %lt3A_427 = arith.cmpi slt, %rem3A_423, %lt3A_426 : i32
      %lt3A_428 = arith.constant 0 : i32
      %lt3A_429 = arith.cmpi slt, %select_n3A_422, %lt3A_428 : i32
      %ne3A_430 = arith.xori %lt3A_427, %lt3A_429 : i1
      %and3A_431 = arith.andi %ne3A_430, %ne3A_425 : i1
      %add3A_432 = arith.addi %rem3A_423, %select_n3A_422 : i32
      %select_n3A_433 = arith.select %and3A_431, %add3A_432, %rem3A_423 : i32
      %mul3A_434 = arith.constant 8 : i32
      %mul3A_435 = arith.muli %select_n3A_433, %mul3A_434 : i32
      %add3A_436 = arith.addi %mul3A_36, %mul3A_435 : i32
      %dma_wait3A_437 = tpu.memref_slice %arg5[%add3A_417, %add3A_436] : memref<20x128xi32, #tpu.memory_space<vmem>> -> memref<1x8xi32, #tpu.memory_space<vmem>>
      %dma_wait3A_438 = tpu.memref_squeeze %dma_wait3A_437 : memref<1x8xi32, #tpu.memory_space<vmem>> -> memref<8xi32, #tpu.memory_space<vmem>>
      %dma_wait3A_439 = arith.constant 0 : i32
      %dma_wait3A_440 = arith.constant 0 : i32
      %dma_wait3A_441 = tpu.memref_slice %arg2[%dma_wait3A_439, %dma_wait3A_440] : memref<800x3072xf32, #tpu.memory_space<hbm>> -> memref<800x3072xf32, #tpu.memory_space<hbm>>
      tpu.wait_indirect_dma semaphore(%arg12 : memref<!tpu.dma_semaphore, #tpu.memory_space<semaphore_mem>>) src(%dma_wait3A_441 : memref<800x3072xf32, #tpu.memory_space<hbm>>) dst(%arg8 : memref<8x3072xf32, #tpu.memory_space<vmem>>)
      %add3A_442 = arith.constant 2 : i32
      %add3A_443 = arith.addi %add3A_179, %add3A_442 : i32
      %jit3A_444 = arith.constant 4 : i32
      %div3A_445 = arith.divsi %add3A_443, %jit3A_444 : i32
      %sign3A_446 = arith.constant 0 : i32
      %sign3A_447 = arith.cmpi sgt, %add3A_443, %sign3A_446 : i32
      %sign3A_448 = arith.extui %sign3A_447 : i1 to i32
      %sign3A_449 = arith.constant 0 : i32
      %sign3A_450 = arith.cmpi slt, %add3A_443, %sign3A_449 : i32
      %sign3A_451 = arith.extui %sign3A_450 : i1 to i32
      %sign3A_452 = arith.subi %sign3A_448, %sign3A_451 : i32
      %sign3A_453 = arith.constant 0 : i32
      %sign3A_454 = arith.cmpi sgt, %jit3A_444, %sign3A_453 : i32
      %sign3A_455 = arith.extui %sign3A_454 : i1 to i32
      %sign3A_456 = arith.constant 0 : i32
      %sign3A_457 = arith.cmpi slt, %jit3A_444, %sign3A_456 : i32
      %sign3A_458 = arith.extui %sign3A_457 : i1 to i32
      %sign3A_459 = arith.subi %sign3A_455, %sign3A_458 : i32
      %ne3A_460 = arith.cmpi ne, %sign3A_452, %sign3A_459 : i32
      %rem3A_461 = arith.remsi %add3A_443, %jit3A_444 : i32
      %ne3A_462 = arith.constant 0 : i32
      %ne3A_463 = arith.cmpi ne, %rem3A_461, %ne3A_462 : i32
      %and3A_464 = arith.andi %ne3A_460, %ne3A_463 : i1
      %sub3A_465 = arith.constant 1 : i32
      %sub3A_466 = arith.subi %div3A_445, %sub3A_465 : i32
      %select_n3A_467 = arith.select %and3A_464, %sub3A_466, %div3A_445 : i32
      %add3A_468 = arith.constant 10 : i32
      %add3A_469 = arith.addi %add3A_468, %select_n3A_467 : i32
      %jit3A_470 = arith.constant 4 : i32
      %eq3A_471 = arith.constant 0 : i32
      %eq3A_472 = arith.cmpi eq, %jit3A_470, %eq3A_471 : i32
      %jit3A_473 = arith.constant 1 : i32
      %select_n3A_474 = arith.select %eq3A_472, %jit3A_473, %jit3A_470 : i32
      %rem3A_475 = arith.remsi %add3A_443, %select_n3A_474 : i32
      %ne3A_476 = arith.constant 0 : i32
      %ne3A_477 = arith.cmpi ne, %rem3A_475, %ne3A_476 : i32
      %lt3A_478 = arith.constant 0 : i32
      %lt3A_479 = arith.cmpi slt, %rem3A_475, %lt3A_478 : i32
      %lt3A_480 = arith.constant 0 : i32
      %lt3A_481 = arith.cmpi slt, %select_n3A_474, %lt3A_480 : i32
      %ne3A_482 = arith.xori %lt3A_479, %lt3A_481 : i1
      %and3A_483 = arith.andi %ne3A_482, %ne3A_477 : i1
      %add3A_484 = arith.addi %rem3A_475, %select_n3A_474 : i32
      %select_n3A_485 = arith.select %and3A_483, %add3A_484, %rem3A_475 : i32
      %mul3A_486 = arith.constant 8 : i32
      %mul3A_487 = arith.muli %select_n3A_485, %mul3A_486 : i32
      %add3A_488 = arith.addi %mul3A_2, %mul3A_487 : i32
      %dma_start3A_489 = arith.constant 0 : i32
      %dma_start3A_490 = tpu.memref_slice %arg4[%add3A_469, %add3A_488, %dma_start3A_489] : memref<20x1024x3072xf32, #tpu.memory_space<hbm>> -> memref<1x8x3072xf32, #tpu.memory_space<hbm>>
      %dma_start3A_491 = tpu.memref_squeeze %dma_start3A_490 : memref<1x8x3072xf32, #tpu.memory_space<hbm>> -> memref<8x3072xf32, #tpu.memory_space<hbm>>
      %dma_start3A_492 = arith.constant 0 : i32
      %dma_start3A_493 = tpu.memref_slice %arg4[%add3A_469, %add3A_488, %dma_start3A_492] : memref<20x1024x3072xf32, #tpu.memory_space<hbm>> -> memref<1x8x3072xf32, #tpu.memory_space<hbm>>
      %dma_start3A_494 = tpu.memref_squeeze %dma_start3A_493 : memref<1x8x3072xf32, #tpu.memory_space<hbm>> -> memref<8x3072xf32, #tpu.memory_space<hbm>>
      tpu.enqueue_dma source(%arg8 : memref<8x3072xf32, #tpu.memory_space<vmem>>) target(%dma_start3A_494 : memref<8x3072xf32, #tpu.memory_space<hbm>>) target_semaphore(%arg16 : memref<!tpu.dma_semaphore, #tpu.memory_space<semaphore_mem>>)
      %add3A_495 = arith.constant 3 : i32
      %add3A_496 = arith.addi %add3A_179, %add3A_495 : i32
      %jit3A_497 = arith.constant 4 : i32
      %div3A_498 = arith.divsi %add3A_496, %jit3A_497 : i32
      %sign3A_499 = arith.constant 0 : i32
      %sign3A_500 = arith.cmpi sgt, %add3A_496, %sign3A_499 : i32
      %sign3A_501 = arith.extui %sign3A_500 : i1 to i32
      %sign3A_502 = arith.constant 0 : i32
      %sign3A_503 = arith.cmpi slt, %add3A_496, %sign3A_502 : i32
      %sign3A_504 = arith.extui %sign3A_503 : i1 to i32
      %sign3A_505 = arith.subi %sign3A_501, %sign3A_504 : i32
      %sign3A_506 = arith.constant 0 : i32
      %sign3A_507 = arith.cmpi sgt, %jit3A_497, %sign3A_506 : i32
      %sign3A_508 = arith.extui %sign3A_507 : i1 to i32
      %sign3A_509 = arith.constant 0 : i32
      %sign3A_510 = arith.cmpi slt, %jit3A_497, %sign3A_509 : i32
      %sign3A_511 = arith.extui %sign3A_510 : i1 to i32
      %sign3A_512 = arith.subi %sign3A_508, %sign3A_511 : i32
      %ne3A_513 = arith.cmpi ne, %sign3A_505, %sign3A_512 : i32
      %rem3A_514 = arith.remsi %add3A_496, %jit3A_497 : i32
      %ne3A_515 = arith.constant 0 : i32
      %ne3A_516 = arith.cmpi ne, %rem3A_514, %ne3A_515 : i32
      %and3A_517 = arith.andi %ne3A_513, %ne3A_516 : i1
      %sub3A_518 = arith.constant 1 : i32
      %sub3A_519 = arith.subi %div3A_498, %sub3A_518 : i32
      %select_n3A_520 = arith.select %and3A_517, %sub3A_519, %div3A_498 : i32
      %add3A_521 = arith.constant 10 : i32
      %add3A_522 = arith.addi %add3A_521, %select_n3A_520 : i32
      %jit3A_523 = arith.constant 4 : i32
      %eq3A_524 = arith.constant 0 : i32
      %eq3A_525 = arith.cmpi eq, %jit3A_523, %eq3A_524 : i32
      %jit3A_526 = arith.constant 1 : i32
      %select_n3A_527 = arith.select %eq3A_525, %jit3A_526, %jit3A_523 : i32
      %rem3A_528 = arith.remsi %add3A_496, %select_n3A_527 : i32
      %ne3A_529 = arith.constant 0 : i32
      %ne3A_530 = arith.cmpi ne, %rem3A_528, %ne3A_529 : i32
      %lt3A_531 = arith.constant 0 : i32
      %lt3A_532 = arith.cmpi slt, %rem3A_528, %lt3A_531 : i32
      %lt3A_533 = arith.constant 0 : i32
      %lt3A_534 = arith.cmpi slt, %select_n3A_527, %lt3A_533 : i32
      %ne3A_535 = arith.xori %lt3A_532, %lt3A_534 : i1
      %and3A_536 = arith.andi %ne3A_535, %ne3A_530 : i1
      %add3A_537 = arith.addi %rem3A_528, %select_n3A_527 : i32
      %select_n3A_538 = arith.select %and3A_536, %add3A_537, %rem3A_528 : i32
      %mul3A_539 = arith.constant 8 : i32
      %mul3A_540 = arith.muli %select_n3A_538, %mul3A_539 : i32
      %add3A_541 = arith.addi %mul3A_36, %mul3A_540 : i32
      %dma_wait3A_542 = tpu.memref_slice %arg5[%add3A_522, %add3A_541] : memref<20x128xi32, #tpu.memory_space<vmem>> -> memref<1x8xi32, #tpu.memory_space<vmem>>
      %dma_wait3A_543 = tpu.memref_squeeze %dma_wait3A_542 : memref<1x8xi32, #tpu.memory_space<vmem>> -> memref<8xi32, #tpu.memory_space<vmem>>
      %dma_wait3A_544 = arith.constant 0 : i32
      %dma_wait3A_545 = arith.constant 0 : i32
      %dma_wait3A_546 = tpu.memref_slice %arg2[%dma_wait3A_544, %dma_wait3A_545] : memref<800x3072xf32, #tpu.memory_space<hbm>> -> memref<800x3072xf32, #tpu.memory_space<hbm>>
      tpu.wait_indirect_dma semaphore(%arg13 : memref<!tpu.dma_semaphore, #tpu.memory_space<semaphore_mem>>) src(%dma_wait3A_546 : memref<800x3072xf32, #tpu.memory_space<hbm>>) dst(%arg9 : memref<8x3072xf32, #tpu.memory_space<vmem>>)
      %add3A_547 = arith.constant 3 : i32
      %add3A_548 = arith.addi %add3A_179, %add3A_547 : i32
      %jit3A_549 = arith.constant 4 : i32
      %div3A_550 = arith.divsi %add3A_548, %jit3A_549 : i32
      %sign3A_551 = arith.constant 0 : i32
      %sign3A_552 = arith.cmpi sgt, %add3A_548, %sign3A_551 : i32
      %sign3A_553 = arith.extui %sign3A_552 : i1 to i32
      %sign3A_554 = arith.constant 0 : i32
      %sign3A_555 = arith.cmpi slt, %add3A_548, %sign3A_554 : i32
      %sign3A_556 = arith.extui %sign3A_555 : i1 to i32
      %sign3A_557 = arith.subi %sign3A_553, %sign3A_556 : i32
      %sign3A_558 = arith.constant 0 : i32
      %sign3A_559 = arith.cmpi sgt, %jit3A_549, %sign3A_558 : i32
      %sign3A_560 = arith.extui %sign3A_559 : i1 to i32
      %sign3A_561 = arith.constant 0 : i32
      %sign3A_562 = arith.cmpi slt, %jit3A_549, %sign3A_561 : i32
      %sign3A_563 = arith.extui %sign3A_562 : i1 to i32
      %sign3A_564 = arith.subi %sign3A_560, %sign3A_563 : i32
      %ne3A_565 = arith.cmpi ne, %sign3A_557, %sign3A_564 : i32
      %rem3A_566 = arith.remsi %add3A_548, %jit3A_549 : i32
      %ne3A_567 = arith.constant 0 : i32
      %ne3A_568 = arith.cmpi ne, %rem3A_566, %ne3A_567 : i32
      %and3A_569 = arith.andi %ne3A_565, %ne3A_568 : i1
      %sub3A_570 = arith.constant 1 : i32
      %sub3A_571 = arith.subi %div3A_550, %sub3A_570 : i32
      %select_n3A_572 = arith.select %and3A_569, %sub3A_571, %div3A_550 : i32
      %add3A_573 = arith.constant 10 : i32
      %add3A_574 = arith.addi %add3A_573, %select_n3A_572 : i32
      %jit3A_575 = arith.constant 4 : i32
      %eq3A_576 = arith.constant 0 : i32
      %eq3A_577 = arith.cmpi eq, %jit3A_575, %eq3A_576 : i32
      %jit3A_578 = arith.constant 1 : i32
      %select_n3A_579 = arith.select %eq3A_577, %jit3A_578, %jit3A_575 : i32
      %rem3A_580 = arith.remsi %add3A_548, %select_n3A_579 : i32
      %ne3A_581 = arith.constant 0 : i32
      %ne3A_582 = arith.cmpi ne, %rem3A_580, %ne3A_581 : i32
      %lt3A_583 = arith.constant 0 : i32
      %lt3A_584 = arith.cmpi slt, %rem3A_580, %lt3A_583 : i32
      %lt3A_585 = arith.constant 0 : i32
      %lt3A_586 = arith.cmpi slt, %select_n3A_579, %lt3A_585 : i32
      %ne3A_587 = arith.xori %lt3A_584, %lt3A_586 : i1
      %and3A_588 = arith.andi %ne3A_587, %ne3A_582 : i1
      %add3A_589 = arith.addi %rem3A_580, %select_n3A_579 : i32
      %select_n3A_590 = arith.select %and3A_588, %add3A_589, %rem3A_580 : i32
      %mul3A_591 = arith.constant 8 : i32
      %mul3A_592 = arith.muli %select_n3A_590, %mul3A_591 : i32
      %add3A_593 = arith.addi %mul3A_2, %mul3A_592 : i32
      %dma_start3A_594 = arith.constant 0 : i32
      %dma_start3A_595 = tpu.memref_slice %arg4[%add3A_574, %add3A_593, %dma_start3A_594] : memref<20x1024x3072xf32, #tpu.memory_space<hbm>> -> memref<1x8x3072xf32, #tpu.memory_space<hbm>>
      %dma_start3A_596 = tpu.memref_squeeze %dma_start3A_595 : memref<1x8x3072xf32, #tpu.memory_space<hbm>> -> memref<8x3072xf32, #tpu.memory_space<hbm>>
      %dma_start3A_597 = arith.constant 0 : i32
      %dma_start3A_598 = tpu.memref_slice %arg4[%add3A_574, %add3A_593, %dma_start3A_597] : memref<20x1024x3072xf32, #tpu.memory_space<hbm>> -> memref<1x8x3072xf32, #tpu.memory_space<hbm>>
      %dma_start3A_599 = tpu.memref_squeeze %dma_start3A_598 : memref<1x8x3072xf32, #tpu.memory_space<hbm>> -> memref<8x3072xf32, #tpu.memory_space<hbm>>
      tpu.enqueue_dma source(%arg9 : memref<8x3072xf32, #tpu.memory_space<vmem>>) target(%dma_start3A_599 : memref<8x3072xf32, #tpu.memory_space<hbm>>) target_semaphore(%arg17 : memref<!tpu.dma_semaphore, #tpu.memory_space<semaphore_mem>>)
      %add3A_600 = arith.constant 0 : i32
      %add3A_601 = arith.addi %add3A_179, %add3A_600 : i32
      %jit3A_602 = arith.constant 4 : i32
      %div3A_603 = arith.divsi %add3A_601, %jit3A_602 : i32
      %sign3A_604 = arith.constant 0 : i32
      %sign3A_605 = arith.cmpi sgt, %add3A_601, %sign3A_604 : i32
      %sign3A_606 = arith.extui %sign3A_605 : i1 to i32
      %sign3A_607 = arith.constant 0 : i32
      %sign3A_608 = arith.cmpi slt, %add3A_601, %sign3A_607 : i32
      %sign3A_609 = arith.extui %sign3A_608 : i1 to i32
      %sign3A_610 = arith.subi %sign3A_606, %sign3A_609 : i32
      %sign3A_611 = arith.constant 0 : i32
      %sign3A_612 = arith.cmpi sgt, %jit3A_602, %sign3A_611 : i32
      %sign3A_613 = arith.extui %sign3A_612 : i1 to i32
      %sign3A_614 = arith.constant 0 : i32
      %sign3A_615 = arith.cmpi slt, %jit3A_602, %sign3A_614 : i32
      %sign3A_616 = arith.extui %sign3A_615 : i1 to i32
      %sign3A_617 = arith.subi %sign3A_613, %sign3A_616 : i32
      %ne3A_618 = arith.cmpi ne, %sign3A_610, %sign3A_617 : i32
      %rem3A_619 = arith.remsi %add3A_601, %jit3A_602 : i32
      %ne3A_620 = arith.constant 0 : i32
      %ne3A_621 = arith.cmpi ne, %rem3A_619, %ne3A_620 : i32
      %and3A_622 = arith.andi %ne3A_618, %ne3A_621 : i1
      %sub3A_623 = arith.constant 1 : i32
      %sub3A_624 = arith.subi %div3A_603, %sub3A_623 : i32
      %select_n3A_625 = arith.select %and3A_622, %sub3A_624, %div3A_603 : i32
      %add3A_626 = arith.constant 10 : i32
      %add3A_627 = arith.addi %add3A_626, %select_n3A_625 : i32
      %jit3A_628 = arith.constant 4 : i32
      %eq3A_629 = arith.constant 0 : i32
      %eq3A_630 = arith.cmpi eq, %jit3A_628, %eq3A_629 : i32
      %jit3A_631 = arith.constant 1 : i32
      %select_n3A_632 = arith.select %eq3A_630, %jit3A_631, %jit3A_628 : i32
      %rem3A_633 = arith.remsi %add3A_601, %select_n3A_632 : i32
      %ne3A_634 = arith.constant 0 : i32
      %ne3A_635 = arith.cmpi ne, %rem3A_633, %ne3A_634 : i32
      %lt3A_636 = arith.constant 0 : i32
      %lt3A_637 = arith.cmpi slt, %rem3A_633, %lt3A_636 : i32
      %lt3A_638 = arith.constant 0 : i32
      %lt3A_639 = arith.cmpi slt, %select_n3A_632, %lt3A_638 : i32
      %ne3A_640 = arith.xori %lt3A_637, %lt3A_639 : i1
      %and3A_641 = arith.andi %ne3A_640, %ne3A_635 : i1
      %add3A_642 = arith.addi %rem3A_633, %select_n3A_632 : i32
      %select_n3A_643 = arith.select %and3A_641, %add3A_642, %rem3A_633 : i32
      %mul3A_644 = arith.constant 8 : i32
      %mul3A_645 = arith.muli %select_n3A_643, %mul3A_644 : i32
      %add3A_646 = arith.addi %mul3A_2, %mul3A_645 : i32
      %dma_wait3A_647 = arith.constant 0 : i32
      %dma_wait3A_648 = tpu.memref_slice %arg4[%add3A_627, %add3A_646, %dma_wait3A_647] : memref<20x1024x3072xf32, #tpu.memory_space<hbm>> -> memref<1x8x3072xf32, #tpu.memory_space<hbm>>
      %dma_wait3A_649 = tpu.memref_squeeze %dma_wait3A_648 : memref<1x8x3072xf32, #tpu.memory_space<hbm>> -> memref<8x3072xf32, #tpu.memory_space<hbm>>
      %dma_wait3A_650 = arith.constant 0 : i32
      %dma_wait3A_651 = tpu.memref_slice %arg4[%add3A_627, %add3A_646, %dma_wait3A_650] : memref<20x1024x3072xf32, #tpu.memory_space<hbm>> -> memref<1x8x3072xf32, #tpu.memory_space<hbm>>
      %dma_wait3A_652 = tpu.memref_squeeze %dma_wait3A_651 : memref<1x8x3072xf32, #tpu.memory_space<hbm>> -> memref<8x3072xf32, #tpu.memory_space<hbm>>
      tpu.wait_dma2 semaphore(%arg14 : memref<!tpu.dma_semaphore, #tpu.memory_space<semaphore_mem>>) src(%arg6 : memref<8x3072xf32, #tpu.memory_space<vmem>>) dst(%dma_wait3A_652 : memref<8x3072xf32, #tpu.memory_space<hbm>>)
      %add3A_653 = arith.constant 0 : i32
      %add3A_654 = arith.addi %add3A_179, %add3A_653 : i32
      %add3A_655 = arith.constant 4 : i32
      %add3A_656 = arith.addi %add3A_654, %add3A_655 : i32
      %jit3A_657 = arith.constant 4 : i32
      %div3A_658 = arith.divsi %add3A_656, %jit3A_657 : i32
      %sign3A_659 = arith.constant 0 : i32
      %sign3A_660 = arith.cmpi sgt, %add3A_656, %sign3A_659 : i32
      %sign3A_661 = arith.extui %sign3A_660 : i1 to i32
      %sign3A_662 = arith.constant 0 : i32
      %sign3A_663 = arith.cmpi slt, %add3A_656, %sign3A_662 : i32
      %sign3A_664 = arith.extui %sign3A_663 : i1 to i32
      %sign3A_665 = arith.subi %sign3A_661, %sign3A_664 : i32
      %sign3A_666 = arith.constant 0 : i32
      %sign3A_667 = arith.cmpi sgt, %jit3A_657, %sign3A_666 : i32
      %sign3A_668 = arith.extui %sign3A_667 : i1 to i32
      %sign3A_669 = arith.constant 0 : i32
      %sign3A_670 = arith.cmpi slt, %jit3A_657, %sign3A_669 : i32
      %sign3A_671 = arith.extui %sign3A_670 : i1 to i32
      %sign3A_672 = arith.subi %sign3A_668, %sign3A_671 : i32
      %ne3A_673 = arith.cmpi ne, %sign3A_665, %sign3A_672 : i32
      %rem3A_674 = arith.remsi %add3A_656, %jit3A_657 : i32
      %ne3A_675 = arith.constant 0 : i32
      %ne3A_676 = arith.cmpi ne, %rem3A_674, %ne3A_675 : i32
      %and3A_677 = arith.andi %ne3A_673, %ne3A_676 : i1
      %sub3A_678 = arith.constant 1 : i32
      %sub3A_679 = arith.subi %div3A_658, %sub3A_678 : i32
      %select_n3A_680 = arith.select %and3A_677, %sub3A_679, %div3A_658 : i32
      %add3A_681 = arith.constant 10 : i32
      %add3A_682 = arith.addi %add3A_681, %select_n3A_680 : i32
      %jit3A_683 = arith.constant 4 : i32
      %eq3A_684 = arith.constant 0 : i32
      %eq3A_685 = arith.cmpi eq, %jit3A_683, %eq3A_684 : i32
      %jit3A_686 = arith.constant 1 : i32
      %select_n3A_687 = arith.select %eq3A_685, %jit3A_686, %jit3A_683 : i32
      %rem3A_688 = arith.remsi %add3A_656, %select_n3A_687 : i32
      %ne3A_689 = arith.constant 0 : i32
      %ne3A_690 = arith.cmpi ne, %rem3A_688, %ne3A_689 : i32
      %lt3A_691 = arith.constant 0 : i32
      %lt3A_692 = arith.cmpi slt, %rem3A_688, %lt3A_691 : i32
      %lt3A_693 = arith.constant 0 : i32
      %lt3A_694 = arith.cmpi slt, %select_n3A_687, %lt3A_693 : i32
      %ne3A_695 = arith.xori %lt3A_692, %lt3A_694 : i1
      %and3A_696 = arith.andi %ne3A_695, %ne3A_690 : i1
      %add3A_697 = arith.addi %rem3A_688, %select_n3A_687 : i32
      %select_n3A_698 = arith.select %and3A_696, %add3A_697, %rem3A_688 : i32
      %mul3A_699 = arith.constant 8 : i32
      %mul3A_700 = arith.muli %select_n3A_698, %mul3A_699 : i32
      %add3A_701 = arith.addi %mul3A_36, %mul3A_700 : i32
      %dma_start3A_702 = tpu.memref_slice %arg5[%add3A_682, %add3A_701] : memref<20x128xi32, #tpu.memory_space<vmem>> -> memref<1x8xi32, #tpu.memory_space<vmem>>
      %dma_start3A_703 = tpu.memref_squeeze %dma_start3A_702 : memref<1x8xi32, #tpu.memory_space<vmem>> -> memref<8xi32, #tpu.memory_space<vmem>>
      %dma_start3A_704 = arith.constant 0 : i32
      %dma_start3A_705 = arith.constant 0 : i32
      %dma_start3A_706 = tpu.memref_slice %arg2[%dma_start3A_704, %dma_start3A_705] : memref<800x3072xf32, #tpu.memory_space<hbm>> -> memref<800x3072xf32, #tpu.memory_space<hbm>>
      tpu.enqueue_indirect_dma source(%dma_start3A_706 : memref<800x3072xf32, #tpu.memory_space<hbm>>) target(%arg6 : memref<8x3072xf32, #tpu.memory_space<vmem>>) offsets(%dma_start3A_703 : memref<8xi32, #tpu.memory_space<vmem>>) semaphore(%arg10 : memref<!tpu.dma_semaphore, #tpu.memory_space<semaphore_mem>>)
      %add3A_707 = arith.constant 1 : i32
      %add3A_708 = arith.addi %add3A_179, %add3A_707 : i32
      %jit3A_709 = arith.constant 4 : i32
      %div3A_710 = arith.divsi %add3A_708, %jit3A_709 : i32
      %sign3A_711 = arith.constant 0 : i32
      %sign3A_712 = arith.cmpi sgt, %add3A_708, %sign3A_711 : i32
      %sign3A_713 = arith.extui %sign3A_712 : i1 to i32
      %sign3A_714 = arith.constant 0 : i32
      %sign3A_715 = arith.cmpi slt, %add3A_708, %sign3A_714 : i32
      %sign3A_716 = arith.extui %sign3A_715 : i1 to i32
      %sign3A_717 = arith.subi %sign3A_713, %sign3A_716 : i32
      %sign3A_718 = arith.constant 0 : i32
      %sign3A_719 = arith.cmpi sgt, %jit3A_709, %sign3A_718 : i32
      %sign3A_720 = arith.extui %sign3A_719 : i1 to i32
      %sign3A_721 = arith.constant 0 : i32
      %sign3A_722 = arith.cmpi slt, %jit3A_709, %sign3A_721 : i32
      %sign3A_723 = arith.extui %sign3A_722 : i1 to i32
      %sign3A_724 = arith.subi %sign3A_720, %sign3A_723 : i32
      %ne3A_725 = arith.cmpi ne, %sign3A_717, %sign3A_724 : i32
      %rem3A_726 = arith.remsi %add3A_708, %jit3A_709 : i32
      %ne3A_727 = arith.constant 0 : i32
      %ne3A_728 = arith.cmpi ne, %rem3A_726, %ne3A_727 : i32
      %and3A_729 = arith.andi %ne3A_725, %ne3A_728 : i1
      %sub3A_730 = arith.constant 1 : i32
      %sub3A_731 = arith.subi %div3A_710, %sub3A_730 : i32
      %select_n3A_732 = arith.select %and3A_729, %sub3A_731, %div3A_710 : i32
      %add3A_733 = arith.constant 10 : i32
      %add3A_734 = arith.addi %add3A_733, %select_n3A_732 : i32
      %jit3A_735 = arith.constant 4 : i32
      %eq3A_736 = arith.constant 0 : i32
      %eq3A_737 = arith.cmpi eq, %jit3A_735, %eq3A_736 : i32
      %jit3A_738 = arith.constant 1 : i32
      %select_n3A_739 = arith.select %eq3A_737, %jit3A_738, %jit3A_735 : i32
      %rem3A_740 = arith.remsi %add3A_708, %select_n3A_739 : i32
      %ne3A_741 = arith.constant 0 : i32
      %ne3A_742 = arith.cmpi ne, %rem3A_740, %ne3A_741 : i32
      %lt3A_743 = arith.constant 0 : i32
      %lt3A_744 = arith.cmpi slt, %rem3A_740, %lt3A_743 : i32
      %lt3A_745 = arith.constant 0 : i32
      %lt3A_746 = arith.cmpi slt, %select_n3A_739, %lt3A_745 : i32
      %ne3A_747 = arith.xori %lt3A_744, %lt3A_746 : i1
      %and3A_748 = arith.andi %ne3A_747, %ne3A_742 : i1
      %add3A_749 = arith.addi %rem3A_740, %select_n3A_739 : i32
      %select_n3A_750 = arith.select %and3A_748, %add3A_749, %rem3A_740 : i32
      %mul3A_751 = arith.constant 8 : i32
      %mul3A_752 = arith.muli %select_n3A_750, %mul3A_751 : i32
      %add3A_753 = arith.addi %mul3A_2, %mul3A_752 : i32
      %dma_wait3A_754 = arith.constant 0 : i32
      %dma_wait3A_755 = tpu.memref_slice %arg4[%add3A_734, %add3A_753, %dma_wait3A_754] : memref<20x1024x3072xf32, #tpu.memory_space<hbm>> -> memref<1x8x3072xf32, #tpu.memory_space<hbm>>
      %dma_wait3A_756 = tpu.memref_squeeze %dma_wait3A_755 : memref<1x8x3072xf32, #tpu.memory_space<hbm>> -> memref<8x3072xf32, #tpu.memory_space<hbm>>
      %dma_wait3A_757 = arith.constant 0 : i32
      %dma_wait3A_758 = tpu.memref_slice %arg4[%add3A_734, %add3A_753, %dma_wait3A_757] : memref<20x1024x3072xf32, #tpu.memory_space<hbm>> -> memref<1x8x3072xf32, #tpu.memory_space<hbm>>
      %dma_wait3A_759 = tpu.memref_squeeze %dma_wait3A_758 : memref<1x8x3072xf32, #tpu.memory_space<hbm>> -> memref<8x3072xf32, #tpu.memory_space<hbm>>
      tpu.wait_dma2 semaphore(%arg15 : memref<!tpu.dma_semaphore, #tpu.memory_space<semaphore_mem>>) src(%arg7 : memref<8x3072xf32, #tpu.memory_space<vmem>>) dst(%dma_wait3A_759 : memref<8x3072xf32, #tpu.memory_space<hbm>>)
      %add3A_760 = arith.constant 1 : i32
      %add3A_761 = arith.addi %add3A_179, %add3A_760 : i32
      %add3A_762 = arith.constant 4 : i32
      %add3A_763 = arith.addi %add3A_761, %add3A_762 : i32
      %jit3A_764 = arith.constant 4 : i32
      %div3A_765 = arith.divsi %add3A_763, %jit3A_764 : i32
      %sign3A_766 = arith.constant 0 : i32
      %sign3A_767 = arith.cmpi sgt, %add3A_763, %sign3A_766 : i32
      %sign3A_768 = arith.extui %sign3A_767 : i1 to i32
      %sign3A_769 = arith.constant 0 : i32
      %sign3A_770 = arith.cmpi slt, %add3A_763, %sign3A_769 : i32
      %sign3A_771 = arith.extui %sign3A_770 : i1 to i32
      %sign3A_772 = arith.subi %sign3A_768, %sign3A_771 : i32
      %sign3A_773 = arith.constant 0 : i32
      %sign3A_774 = arith.cmpi sgt, %jit3A_764, %sign3A_773 : i32
      %sign3A_775 = arith.extui %sign3A_774 : i1 to i32
      %sign3A_776 = arith.constant 0 : i32
      %sign3A_777 = arith.cmpi slt, %jit3A_764, %sign3A_776 : i32
      %sign3A_778 = arith.extui %sign3A_777 : i1 to i32
      %sign3A_779 = arith.subi %sign3A_775, %sign3A_778 : i32
      %ne3A_780 = arith.cmpi ne, %sign3A_772, %sign3A_779 : i32
      %rem3A_781 = arith.remsi %add3A_763, %jit3A_764 : i32
      %ne3A_782 = arith.constant 0 : i32
      %ne3A_783 = arith.cmpi ne, %rem3A_781, %ne3A_782 : i32
      %and3A_784 = arith.andi %ne3A_780, %ne3A_783 : i1
      %sub3A_785 = arith.constant 1 : i32
      %sub3A_786 = arith.subi %div3A_765, %sub3A_785 : i32
      %select_n3A_787 = arith.select %and3A_784, %sub3A_786, %div3A_765 : i32
      %add3A_788 = arith.constant 10 : i32
      %add3A_789 = arith.addi %add3A_788, %select_n3A_787 : i32
      %jit3A_790 = arith.constant 4 : i32
      %eq3A_791 = arith.constant 0 : i32
      %eq3A_792 = arith.cmpi eq, %jit3A_790, %eq3A_791 : i32
      %jit3A_793 = arith.constant 1 : i32
      %select_n3A_794 = arith.select %eq3A_792, %jit3A_793, %jit3A_790 : i32
      %rem3A_795 = arith.remsi %add3A_763, %select_n3A_794 : i32
      %ne3A_796 = arith.constant 0 : i32
      %ne3A_797 = arith.cmpi ne, %rem3A_795, %ne3A_796 : i32
      %lt3A_798 = arith.constant 0 : i32
      %lt3A_799 = arith.cmpi slt, %rem3A_795, %lt3A_798 : i32
      %lt3A_800 = arith.constant 0 : i32
      %lt3A_801 = arith.cmpi slt, %select_n3A_794, %lt3A_800 : i32
      %ne3A_802 = arith.xori %lt3A_799, %lt3A_801 : i1
      %and3A_803 = arith.andi %ne3A_802, %ne3A_797 : i1
      %add3A_804 = arith.addi %rem3A_795, %select_n3A_794 : i32
      %select_n3A_805 = arith.select %and3A_803, %add3A_804, %rem3A_795 : i32
      %mul3A_806 = arith.constant 8 : i32
      %mul3A_807 = arith.muli %select_n3A_805, %mul3A_806 : i32
      %add3A_808 = arith.addi %mul3A_36, %mul3A_807 : i32
      %dma_start3A_809 = tpu.memref_slice %arg5[%add3A_789, %add3A_808] : memref<20x128xi32, #tpu.memory_space<vmem>> -> memref<1x8xi32, #tpu.memory_space<vmem>>
      %dma_start3A_810 = tpu.memref_squeeze %dma_start3A_809 : memref<1x8xi32, #tpu.memory_space<vmem>> -> memref<8xi32, #tpu.memory_space<vmem>>
      %dma_start3A_811 = arith.constant 0 : i32
      %dma_start3A_812 = arith.constant 0 : i32
      %dma_start3A_813 = tpu.memref_slice %arg2[%dma_start3A_811, %dma_start3A_812] : memref<800x3072xf32, #tpu.memory_space<hbm>> -> memref<800x3072xf32, #tpu.memory_space<hbm>>
      tpu.enqueue_indirect_dma source(%dma_start3A_813 : memref<800x3072xf32, #tpu.memory_space<hbm>>) target(%arg7 : memref<8x3072xf32, #tpu.memory_space<vmem>>) offsets(%dma_start3A_810 : memref<8xi32, #tpu.memory_space<vmem>>) semaphore(%arg11 : memref<!tpu.dma_semaphore, #tpu.memory_space<semaphore_mem>>)
      %add3A_814 = arith.constant 2 : i32
      %add3A_815 = arith.addi %add3A_179, %add3A_814 : i32
      %jit3A_816 = arith.constant 4 : i32
      %div3A_817 = arith.divsi %add3A_815, %jit3A_816 : i32
      %sign3A_818 = arith.constant 0 : i32
      %sign3A_819 = arith.cmpi sgt, %add3A_815, %sign3A_818 : i32
      %sign3A_820 = arith.extui %sign3A_819 : i1 to i32
      %sign3A_821 = arith.constant 0 : i32
      %sign3A_822 = arith.cmpi slt, %add3A_815, %sign3A_821 : i32
      %sign3A_823 = arith.extui %sign3A_822 : i1 to i32
      %sign3A_824 = arith.subi %sign3A_820, %sign3A_823 : i32
      %sign3A_825 = arith.constant 0 : i32
      %sign3A_826 = arith.cmpi sgt, %jit3A_816, %sign3A_825 : i32
      %sign3A_827 = arith.extui %sign3A_826 : i1 to i32
      %sign3A_828 = arith.constant 0 : i32
      %sign3A_829 = arith.cmpi slt, %jit3A_816, %sign3A_828 : i32
      %sign3A_830 = arith.extui %sign3A_829 : i1 to i32
      %sign3A_831 = arith.subi %sign3A_827, %sign3A_830 : i32
      %ne3A_832 = arith.cmpi ne, %sign3A_824, %sign3A_831 : i32
      %rem3A_833 = arith.remsi %add3A_815, %jit3A_816 : i32
      %ne3A_834 = arith.constant 0 : i32
      %ne3A_835 = arith.cmpi ne, %rem3A_833, %ne3A_834 : i32
      %and3A_836 = arith.andi %ne3A_832, %ne3A_835 : i1
      %sub3A_837 = arith.constant 1 : i32
      %sub3A_838 = arith.subi %div3A_817, %sub3A_837 : i32
      %select_n3A_839 = arith.select %and3A_836, %sub3A_838, %div3A_817 : i32
      %add3A_840 = arith.constant 10 : i32
      %add3A_841 = arith.addi %add3A_840, %select_n3A_839 : i32
      %jit3A_842 = arith.constant 4 : i32
      %eq3A_843 = arith.constant 0 : i32
      %eq3A_844 = arith.cmpi eq, %jit3A_842, %eq3A_843 : i32
      %jit3A_845 = arith.constant 1 : i32
      %select_n3A_846 = arith.select %eq3A_844, %jit3A_845, %jit3A_842 : i32
      %rem3A_847 = arith.remsi %add3A_815, %select_n3A_846 : i32
      %ne3A_848 = arith.constant 0 : i32
      %ne3A_849 = arith.cmpi ne, %rem3A_847, %ne3A_848 : i32
      %lt3A_850 = arith.constant 0 : i32
      %lt3A_851 = arith.cmpi slt, %rem3A_847, %lt3A_850 : i32
      %lt3A_852 = arith.constant 0 : i32
      %lt3A_853 = arith.cmpi slt, %select_n3A_846, %lt3A_852 : i32
      %ne3A_854 = arith.xori %lt3A_851, %lt3A_853 : i1
      %and3A_855 = arith.andi %ne3A_854, %ne3A_849 : i1
      %add3A_856 = arith.addi %rem3A_847, %select_n3A_846 : i32
      %select_n3A_857 = arith.select %and3A_855, %add3A_856, %rem3A_847 : i32
      %mul3A_858 = arith.constant 8 : i32
      %mul3A_859 = arith.muli %select_n3A_857, %mul3A_858 : i32
      %add3A_860 = arith.addi %mul3A_2, %mul3A_859 : i32
      %dma_wait3A_861 = arith.constant 0 : i32
      %dma_wait3A_862 = tpu.memref_slice %arg4[%add3A_841, %add3A_860, %dma_wait3A_861] : memref<20x1024x3072xf32, #tpu.memory_space<hbm>> -> memref<1x8x3072xf32, #tpu.memory_space<hbm>>
      %dma_wait3A_863 = tpu.memref_squeeze %dma_wait3A_862 : memref<1x8x3072xf32, #tpu.memory_space<hbm>> -> memref<8x3072xf32, #tpu.memory_space<hbm>>
      %dma_wait3A_864 = arith.constant 0 : i32
      %dma_wait3A_865 = tpu.memref_slice %arg4[%add3A_841, %add3A_860, %dma_wait3A_864] : memref<20x1024x3072xf32, #tpu.memory_space<hbm>> -> memref<1x8x3072xf32, #tpu.memory_space<hbm>>
      %dma_wait3A_866 = tpu.memref_squeeze %dma_wait3A_865 : memref<1x8x3072xf32, #tpu.memory_space<hbm>> -> memref<8x3072xf32, #tpu.memory_space<hbm>>
      tpu.wait_dma2 semaphore(%arg16 : memref<!tpu.dma_semaphore, #tpu.memory_space<semaphore_mem>>) src(%arg8 : memref<8x3072xf32, #tpu.memory_space<vmem>>) dst(%dma_wait3A_866 : memref<8x3072xf32, #tpu.memory_space<hbm>>)
      %add3A_867 = arith.constant 2 : i32
      %add3A_868 = arith.addi %add3A_179, %add3A_867 : i32
      %add3A_869 = arith.constant 4 : i32
      %add3A_870 = arith.addi %add3A_868, %add3A_869 : i32
      %jit3A_871 = arith.constant 4 : i32
      %div3A_872 = arith.divsi %add3A_870, %jit3A_871 : i32
      %sign3A_873 = arith.constant 0 : i32
      %sign3A_874 = arith.cmpi sgt, %add3A_870, %sign3A_873 : i32
      %sign3A_875 = arith.extui %sign3A_874 : i1 to i32
      %sign3A_876 = arith.constant 0 : i32
      %sign3A_877 = arith.cmpi slt, %add3A_870, %sign3A_876 : i32
      %sign3A_878 = arith.extui %sign3A_877 : i1 to i32
      %sign3A_879 = arith.subi %sign3A_875, %sign3A_878 : i32
      %sign3A_880 = arith.constant 0 : i32
      %sign3A_881 = arith.cmpi sgt, %jit3A_871, %sign3A_880 : i32
      %sign3A_882 = arith.extui %sign3A_881 : i1 to i32
      %sign3A_883 = arith.constant 0 : i32
      %sign3A_884 = arith.cmpi slt, %jit3A_871, %sign3A_883 : i32
      %sign3A_885 = arith.extui %sign3A_884 : i1 to i32
      %sign3A_886 = arith.subi %sign3A_882, %sign3A_885 : i32
      %ne3A_887 = arith.cmpi ne, %sign3A_879, %sign3A_886 : i32
      %rem3A_888 = arith.remsi %add3A_870, %jit3A_871 : i32
      %ne3A_889 = arith.constant 0 : i32
      %ne3A_890 = arith.cmpi ne, %rem3A_888, %ne3A_889 : i32
      %and3A_891 = arith.andi %ne3A_887, %ne3A_890 : i1
      %sub3A_892 = arith.constant 1 : i32
      %sub3A_893 = arith.subi %div3A_872, %sub3A_892 : i32
      %select_n3A_894 = arith.select %and3A_891, %sub3A_893, %div3A_872 : i32
      %add3A_895 = arith.constant 10 : i32
      %add3A_896 = arith.addi %add3A_895, %select_n3A_894 : i32
      %jit3A_897 = arith.constant 4 : i32
      %eq3A_898 = arith.constant 0 : i32
      %eq3A_899 = arith.cmpi eq, %jit3A_897, %eq3A_898 : i32
      %jit3A_900 = arith.constant 1 : i32
      %select_n3A_901 = arith.select %eq3A_899, %jit3A_900, %jit3A_897 : i32
      %rem3A_902 = arith.remsi %add3A_870, %select_n3A_901 : i32
      %ne3A_903 = arith.constant 0 : i32
      %ne3A_904 = arith.cmpi ne, %rem3A_902, %ne3A_903 : i32
      %lt3A_905 = arith.constant 0 : i32
      %lt3A_906 = arith.cmpi slt, %rem3A_902, %lt3A_905 : i32
      %lt3A_907 = arith.constant 0 : i32
      %lt3A_908 = arith.cmpi slt, %select_n3A_901, %lt3A_907 : i32
      %ne3A_909 = arith.xori %lt3A_906, %lt3A_908 : i1
      %and3A_910 = arith.andi %ne3A_909, %ne3A_904 : i1
      %add3A_911 = arith.addi %rem3A_902, %select_n3A_901 : i32
      %select_n3A_912 = arith.select %and3A_910, %add3A_911, %rem3A_902 : i32
      %mul3A_913 = arith.constant 8 : i32
      %mul3A_914 = arith.muli %select_n3A_912, %mul3A_913 : i32
      %add3A_915 = arith.addi %mul3A_36, %mul3A_914 : i32
      %dma_start3A_916 = tpu.memref_slice %arg5[%add3A_896, %add3A_915] : memref<20x128xi32, #tpu.memory_space<vmem>> -> memref<1x8xi32, #tpu.memory_space<vmem>>
      %dma_start3A_917 = tpu.memref_squeeze %dma_start3A_916 : memref<1x8xi32, #tpu.memory_space<vmem>> -> memref<8xi32, #tpu.memory_space<vmem>>
      %dma_start3A_918 = arith.constant 0 : i32
      %dma_start3A_919 = arith.constant 0 : i32
      %dma_start3A_920 = tpu.memref_slice %arg2[%dma_start3A_918, %dma_start3A_919] : memref<800x3072xf32, #tpu.memory_space<hbm>> -> memref<800x3072xf32, #tpu.memory_space<hbm>>
      tpu.enqueue_indirect_dma source(%dma_start3A_920 : memref<800x3072xf32, #tpu.memory_space<hbm>>) target(%arg8 : memref<8x3072xf32, #tpu.memory_space<vmem>>) offsets(%dma_start3A_917 : memref<8xi32, #tpu.memory_space<vmem>>) semaphore(%arg12 : memref<!tpu.dma_semaphore, #tpu.memory_space<semaphore_mem>>)
      %add3A_921 = arith.constant 3 : i32
      %add3A_922 = arith.addi %add3A_179, %add3A_921 : i32
      %jit3A_923 = arith.constant 4 : i32
      %div3A_924 = arith.divsi %add3A_922, %jit3A_923 : i32
      %sign3A_925 = arith.constant 0 : i32
      %sign3A_926 = arith.cmpi sgt, %add3A_922, %sign3A_925 : i32
      %sign3A_927 = arith.extui %sign3A_926 : i1 to i32
      %sign3A_928 = arith.constant 0 : i32
      %sign3A_929 = arith.cmpi slt, %add3A_922, %sign3A_928 : i32
      %sign3A_930 = arith.extui %sign3A_929 : i1 to i32
      %sign3A_931 = arith.subi %sign3A_927, %sign3A_930 : i32
      %sign3A_932 = arith.constant 0 : i32
      %sign3A_933 = arith.cmpi sgt, %jit3A_923, %sign3A_932 : i32
      %sign3A_934 = arith.extui %sign3A_933 : i1 to i32
      %sign3A_935 = arith.constant 0 : i32
      %sign3A_936 = arith.cmpi slt, %jit3A_923, %sign3A_935 : i32
      %sign3A_937 = arith.extui %sign3A_936 : i1 to i32
      %sign3A_938 = arith.subi %sign3A_934, %sign3A_937 : i32
      %ne3A_939 = arith.cmpi ne, %sign3A_931, %sign3A_938 : i32
      %rem3A_940 = arith.remsi %add3A_922, %jit3A_923 : i32
      %ne3A_941 = arith.constant 0 : i32
      %ne3A_942 = arith.cmpi ne, %rem3A_940, %ne3A_941 : i32
      %and3A_943 = arith.andi %ne3A_939, %ne3A_942 : i1
      %sub3A_944 = arith.constant 1 : i32
      %sub3A_945 = arith.subi %div3A_924, %sub3A_944 : i32
      %select_n3A_946 = arith.select %and3A_943, %sub3A_945, %div3A_924 : i32
      %add3A_947 = arith.constant 10 : i32
      %add3A_948 = arith.addi %add3A_947, %select_n3A_946 : i32
      %jit3A_949 = arith.constant 4 : i32
      %eq3A_950 = arith.constant 0 : i32
      %eq3A_951 = arith.cmpi eq, %jit3A_949, %eq3A_950 : i32
      %jit3A_952 = arith.constant 1 : i32
      %select_n3A_953 = arith.select %eq3A_951, %jit3A_952, %jit3A_949 : i32
      %rem3A_954 = arith.remsi %add3A_922, %select_n3A_953 : i32
      %ne3A_955 = arith.constant 0 : i32
      %ne3A_956 = arith.cmpi ne, %rem3A_954, %ne3A_955 : i32
      %lt3A_957 = arith.constant 0 : i32
      %lt3A_958 = arith.cmpi slt, %rem3A_954, %lt3A_957 : i32
      %lt3A_959 = arith.constant 0 : i32
      %lt3A_960 = arith.cmpi slt, %select_n3A_953, %lt3A_959 : i32
      %ne3A_961 = arith.xori %lt3A_958, %lt3A_960 : i1
      %and3A_962 = arith.andi %ne3A_961, %ne3A_956 : i1
      %add3A_963 = arith.addi %rem3A_954, %select_n3A_953 : i32
      %select_n3A_964 = arith.select %and3A_962, %add3A_963, %rem3A_954 : i32
      %mul3A_965 = arith.constant 8 : i32
      %mul3A_966 = arith.muli %select_n3A_964, %mul3A_965 : i32
      %add3A_967 = arith.addi %mul3A_2, %mul3A_966 : i32
      %dma_wait3A_968 = arith.constant 0 : i32
      %dma_wait3A_969 = tpu.memref_slice %arg4[%add3A_948, %add3A_967, %dma_wait3A_968] : memref<20x1024x3072xf32, #tpu.memory_space<hbm>> -> memref<1x8x3072xf32, #tpu.memory_space<hbm>>
      %dma_wait3A_970 = tpu.memref_squeeze %dma_wait3A_969 : memref<1x8x3072xf32, #tpu.memory_space<hbm>> -> memref<8x3072xf32, #tpu.memory_space<hbm>>
      %dma_wait3A_971 = arith.constant 0 : i32
      %dma_wait3A_972 = tpu.memref_slice %arg4[%add3A_948, %add3A_967, %dma_wait3A_971] : memref<20x1024x3072xf32, #tpu.memory_space<hbm>> -> memref<1x8x3072xf32, #tpu.memory_space<hbm>>
      %dma_wait3A_973 = tpu.memref_squeeze %dma_wait3A_972 : memref<1x8x3072xf32, #tpu.memory_space<hbm>> -> memref<8x3072xf32, #tpu.memory_space<hbm>>
      tpu.wait_dma2 semaphore(%arg17 : memref<!tpu.dma_semaphore, #tpu.memory_space<semaphore_mem>>) src(%arg9 : memref<8x3072xf32, #tpu.memory_space<vmem>>) dst(%dma_wait3A_973 : memref<8x3072xf32, #tpu.memory_space<hbm>>)
      %add3A_974 = arith.constant 3 : i32
      %add3A_975 = arith.addi %add3A_179, %add3A_974 : i32
      %add3A_976 = arith.constant 4 : i32
      %add3A_977 = arith.addi %add3A_975, %add3A_976 : i32
      %jit3A_978 = arith.constant 4 : i32
      %div3A_979 = arith.divsi %add3A_977, %jit3A_978 : i32
      %sign3A_980 = arith.constant 0 : i32
      %sign3A_981 = arith.cmpi sgt, %add3A_977, %sign3A_980 : i32
      %sign3A_982 = arith.extui %sign3A_981 : i1 to i32
      %sign3A_983 = arith.constant 0 : i32
      %sign3A_984 = arith.cmpi slt, %add3A_977, %sign3A_983 : i32
      %sign3A_985 = arith.extui %sign3A_984 : i1 to i32
      %sign3A_986 = arith.subi %sign3A_982, %sign3A_985 : i32
      %sign3A_987 = arith.constant 0 : i32
      %sign3A_988 = arith.cmpi sgt, %jit3A_978, %sign3A_987 : i32
      %sign3A_989 = arith.extui %sign3A_988 : i1 to i32
      %sign3A_990 = arith.constant 0 : i32
      %sign3A_991 = arith.cmpi slt, %jit3A_978, %sign3A_990 : i32
      %sign3A_992 = arith.extui %sign3A_991 : i1 to i32
      %sign3A_993 = arith.subi %sign3A_989, %sign3A_992 : i32
      %ne3A_994 = arith.cmpi ne, %sign3A_986, %sign3A_993 : i32
      %rem3A_995 = arith.remsi %add3A_977, %jit3A_978 : i32
      %ne3A_996 = arith.constant 0 : i32
      %ne3A_997 = arith.cmpi ne, %rem3A_995, %ne3A_996 : i32
      %and3A_998 = arith.andi %ne3A_994, %ne3A_997 : i1
      %sub3A_999 = arith.constant 1 : i32
      %sub3A_1000 = arith.subi %div3A_979, %sub3A_999 : i32
      %select_n3A_1001 = arith.select %and3A_998, %sub3A_1000, %div3A_979 : i32
      %add3A_1002 = arith.constant 10 : i32
      %add3A_1003 = arith.addi %add3A_1002, %select_n3A_1001 : i32
      %jit3A_1004 = arith.constant 4 : i32
      %eq3A_1005 = arith.constant 0 : i32
      %eq3A_1006 = arith.cmpi eq, %jit3A_1004, %eq3A_1005 : i32
      %jit3A_1007 = arith.constant 1 : i32
      %select_n3A_1008 = arith.select %eq3A_1006, %jit3A_1007, %jit3A_1004 : i32
      %rem3A_1009 = arith.remsi %add3A_977, %select_n3A_1008 : i32
      %ne3A_1010 = arith.constant 0 : i32
      %ne3A_1011 = arith.cmpi ne, %rem3A_1009, %ne3A_1010 : i32
      %lt3A_1012 = arith.constant 0 : i32
      %lt3A_1013 = arith.cmpi slt, %rem3A_1009, %lt3A_1012 : i32
      %lt3A_1014 = arith.constant 0 : i32
      %lt3A_1015 = arith.cmpi slt, %select_n3A_1008, %lt3A_1014 : i32
      %ne3A_1016 = arith.xori %lt3A_1013, %lt3A_1015 : i1
      %and3A_1017 = arith.andi %ne3A_1016, %ne3A_1011 : i1
      %add3A_1018 = arith.addi %rem3A_1009, %select_n3A_1008 : i32
      %select_n3A_1019 = arith.select %and3A_1017, %add3A_1018, %rem3A_1009 : i32
      %mul3A_1020 = arith.constant 8 : i32
      %mul3A_1021 = arith.muli %select_n3A_1019, %mul3A_1020 : i32
      %add3A_1022 = arith.addi %mul3A_36, %mul3A_1021 : i32
      %dma_start3A_1023 = tpu.memref_slice %arg5[%add3A_1003, %add3A_1022] : memref<20x128xi32, #tpu.memory_space<vmem>> -> memref<1x8xi32, #tpu.memory_space<vmem>>
      %dma_start3A_1024 = tpu.memref_squeeze %dma_start3A_1023 : memref<1x8xi32, #tpu.memory_space<vmem>> -> memref<8xi32, #tpu.memory_space<vmem>>
      %dma_start3A_1025 = arith.constant 0 : i32
      %dma_start3A_1026 = arith.constant 0 : i32
      %dma_start3A_1027 = tpu.memref_slice %arg2[%dma_start3A_1025, %dma_start3A_1026] : memref<800x3072xf32, #tpu.memory_space<hbm>> -> memref<800x3072xf32, #tpu.memory_space<hbm>>
      tpu.enqueue_indirect_dma source(%dma_start3A_1027 : memref<800x3072xf32, #tpu.memory_space<hbm>>) target(%arg9 : memref<8x3072xf32, #tpu.memory_space<vmem>>) offsets(%dma_start3A_1024 : memref<8xi32, #tpu.memory_space<vmem>>) semaphore(%arg13 : memref<!tpu.dma_semaphore, #tpu.memory_space<semaphore_mem>>)
    }
    %scan3A_71 = arith.constant 9 : i32
    %add3A_72 = arith.constant 0 : i32
    %add3A_73 = arith.addi %mul3A_36, %add3A_72 : i32
    %dma_wait3A = arith.constant 19 : i32
    %dma_wait3A_74 = tpu.memref_slice %arg5[%dma_wait3A, %add3A_73] : memref<20x128xi32, #tpu.memory_space<vmem>> -> memref<1x8xi32, #tpu.memory_space<vmem>>
    %dma_wait3A_75 = tpu.memref_squeeze %dma_wait3A_74 : memref<1x8xi32, #tpu.memory_space<vmem>> -> memref<8xi32, #tpu.memory_space<vmem>>
    %dma_wait3A_76 = arith.constant 0 : i32
    %dma_wait3A_77 = arith.constant 0 : i32
    %dma_wait3A_78 = tpu.memref_slice %arg2[%dma_wait3A_76, %dma_wait3A_77] : memref<800x3072xf32, #tpu.memory_space<hbm>> -> memref<800x3072xf32, #tpu.memory_space<hbm>>
    tpu.wait_indirect_dma semaphore(%arg10 : memref<!tpu.dma_semaphore, #tpu.memory_space<semaphore_mem>>) src(%dma_wait3A_78 : memref<800x3072xf32, #tpu.memory_space<hbm>>) dst(%arg6 : memref<8x3072xf32, #tpu.memory_space<vmem>>)
    %add3A_79 = arith.constant 0 : i32
    %add3A_80 = arith.addi %mul3A_2, %add3A_79 : i32
    %dma_start3A_81 = arith.constant 19 : i32
    %dma_start3A_82 = arith.constant 0 : i32
    %dma_start3A_83 = tpu.memref_slice %arg4[%dma_start3A_81, %add3A_80, %dma_start3A_82] : memref<20x1024x3072xf32, #tpu.memory_space<hbm>> -> memref<1x8x3072xf32, #tpu.memory_space<hbm>>
    %dma_start3A_84 = tpu.memref_squeeze %dma_start3A_83 : memref<1x8x3072xf32, #tpu.memory_space<hbm>> -> memref<8x3072xf32, #tpu.memory_space<hbm>>
    %dma_start3A_85 = arith.constant 0 : i32
    %dma_start3A_86 = tpu.memref_slice %arg4[%dma_start3A_81, %add3A_80, %dma_start3A_85] : memref<20x1024x3072xf32, #tpu.memory_space<hbm>> -> memref<1x8x3072xf32, #tpu.memory_space<hbm>>
    %dma_start3A_87 = tpu.memref_squeeze %dma_start3A_86 : memref<1x8x3072xf32, #tpu.memory_space<hbm>> -> memref<8x3072xf32, #tpu.memory_space<hbm>>
    tpu.enqueue_dma source(%arg6 : memref<8x3072xf32, #tpu.memory_space<vmem>>) target(%dma_start3A_87 : memref<8x3072xf32, #tpu.memory_space<hbm>>) target_semaphore(%arg14 : memref<!tpu.dma_semaphore, #tpu.memory_space<semaphore_mem>>)
    %add3A_88 = arith.constant 8 : i32
    %add3A_89 = arith.addi %mul3A_36, %add3A_88 : i32
    %dma_wait3A_90 = arith.constant 19 : i32
    %dma_wait3A_91 = tpu.memref_slice %arg5[%dma_wait3A_90, %add3A_89] : memref<20x128xi32, #tpu.memory_space<vmem>> -> memref<1x8xi32, #tpu.memory_space<vmem>>
    %dma_wait3A_92 = tpu.memref_squeeze %dma_wait3A_91 : memref<1x8xi32, #tpu.memory_space<vmem>> -> memref<8xi32, #tpu.memory_space<vmem>>
    %dma_wait3A_93 = arith.constant 0 : i32
    %dma_wait3A_94 = arith.constant 0 : i32
    %dma_wait3A_95 = tpu.memref_slice %arg2[%dma_wait3A_93, %dma_wait3A_94] : memref<800x3072xf32, #tpu.memory_space<hbm>> -> memref<800x3072xf32, #tpu.memory_space<hbm>>
    tpu.wait_indirect_dma semaphore(%arg11 : memref<!tpu.dma_semaphore, #tpu.memory_space<semaphore_mem>>) src(%dma_wait3A_95 : memref<800x3072xf32, #tpu.memory_space<hbm>>) dst(%arg7 : memref<8x3072xf32, #tpu.memory_space<vmem>>)
    %add3A_96 = arith.constant 8 : i32
    %add3A_97 = arith.addi %mul3A_2, %add3A_96 : i32
    %dma_start3A_98 = arith.constant 19 : i32
    %dma_start3A_99 = arith.constant 0 : i32
    %dma_start3A_100 = tpu.memref_slice %arg4[%dma_start3A_98, %add3A_97, %dma_start3A_99] : memref<20x1024x3072xf32, #tpu.memory_space<hbm>> -> memref<1x8x3072xf32, #tpu.memory_space<hbm>>
    %dma_start3A_101 = tpu.memref_squeeze %dma_start3A_100 : memref<1x8x3072xf32, #tpu.memory_space<hbm>> -> memref<8x3072xf32, #tpu.memory_space<hbm>>
    %dma_start3A_102 = arith.constant 0 : i32
    %dma_start3A_103 = tpu.memref_slice %arg4[%dma_start3A_98, %add3A_97, %dma_start3A_102] : memref<20x1024x3072xf32, #tpu.memory_space<hbm>> -> memref<1x8x3072xf32, #tpu.memory_space<hbm>>
    %dma_start3A_104 = tpu.memref_squeeze %dma_start3A_103 : memref<1x8x3072xf32, #tpu.memory_space<hbm>> -> memref<8x3072xf32, #tpu.memory_space<hbm>>
    tpu.enqueue_dma source(%arg7 : memref<8x3072xf32, #tpu.memory_space<vmem>>) target(%dma_start3A_104 : memref<8x3072xf32, #tpu.memory_space<hbm>>) target_semaphore(%arg15 : memref<!tpu.dma_semaphore, #tpu.memory_space<semaphore_mem>>)
    %add3A_105 = arith.constant 16 : i32
    %add3A_106 = arith.addi %mul3A_36, %add3A_105 : i32
    %dma_wait3A_107 = arith.constant 19 : i32
    %dma_wait3A_108 = tpu.memref_slice %arg5[%dma_wait3A_107, %add3A_106] : memref<20x128xi32, #tpu.memory_space<vmem>> -> memref<1x8xi32, #tpu.memory_space<vmem>>
    %dma_wait3A_109 = tpu.memref_squeeze %dma_wait3A_108 : memref<1x8xi32, #tpu.memory_space<vmem>> -> memref<8xi32, #tpu.memory_space<vmem>>
    %dma_wait3A_110 = arith.constant 0 : i32
    %dma_wait3A_111 = arith.constant 0 : i32
    %dma_wait3A_112 = tpu.memref_slice %arg2[%dma_wait3A_110, %dma_wait3A_111] : memref<800x3072xf32, #tpu.memory_space<hbm>> -> memref<800x3072xf32, #tpu.memory_space<hbm>>
    tpu.wait_indirect_dma semaphore(%arg12 : memref<!tpu.dma_semaphore, #tpu.memory_space<semaphore_mem>>) src(%dma_wait3A_112 : memref<800x3072xf32, #tpu.memory_space<hbm>>) dst(%arg8 : memref<8x3072xf32, #tpu.memory_space<vmem>>)
    %add3A_113 = arith.constant 16 : i32
    %add3A_114 = arith.addi %mul3A_2, %add3A_113 : i32
    %dma_start3A_115 = arith.constant 19 : i32
    %dma_start3A_116 = arith.constant 0 : i32
    %dma_start3A_117 = tpu.memref_slice %arg4[%dma_start3A_115, %add3A_114, %dma_start3A_116] : memref<20x1024x3072xf32, #tpu.memory_space<hbm>> -> memref<1x8x3072xf32, #tpu.memory_space<hbm>>
    %dma_start3A_118 = tpu.memref_squeeze %dma_start3A_117 : memref<1x8x3072xf32, #tpu.memory_space<hbm>> -> memref<8x3072xf32, #tpu.memory_space<hbm>>
    %dma_start3A_119 = arith.constant 0 : i32
    %dma_start3A_120 = tpu.memref_slice %arg4[%dma_start3A_115, %add3A_114, %dma_start3A_119] : memref<20x1024x3072xf32, #tpu.memory_space<hbm>> -> memref<1x8x3072xf32, #tpu.memory_space<hbm>>
    %dma_start3A_121 = tpu.memref_squeeze %dma_start3A_120 : memref<1x8x3072xf32, #tpu.memory_space<hbm>> -> memref<8x3072xf32, #tpu.memory_space<hbm>>
    tpu.enqueue_dma source(%arg8 : memref<8x3072xf32, #tpu.memory_space<vmem>>) target(%dma_start3A_121 : memref<8x3072xf32, #tpu.memory_space<hbm>>) target_semaphore(%arg16 : memref<!tpu.dma_semaphore, #tpu.memory_space<semaphore_mem>>)
    %add3A_122 = arith.constant 24 : i32
    %add3A_123 = arith.addi %mul3A_36, %add3A_122 : i32
    %dma_wait3A_124 = arith.constant 19 : i32
    %dma_wait3A_125 = tpu.memref_slice %arg5[%dma_wait3A_124, %add3A_123] : memref<20x128xi32, #tpu.memory_space<vmem>> -> memref<1x8xi32, #tpu.memory_space<vmem>>
    %dma_wait3A_126 = tpu.memref_squeeze %dma_wait3A_125 : memref<1x8xi32, #tpu.memory_space<vmem>> -> memref<8xi32, #tpu.memory_space<vmem>>
    %dma_wait3A_127 = arith.constant 0 : i32
    %dma_wait3A_128 = arith.constant 0 : i32
    %dma_wait3A_129 = tpu.memref_slice %arg2[%dma_wait3A_127, %dma_wait3A_128] : memref<800x3072xf32, #tpu.memory_space<hbm>> -> memref<800x3072xf32, #tpu.memory_space<hbm>>
    tpu.wait_indirect_dma semaphore(%arg13 : memref<!tpu.dma_semaphore, #tpu.memory_space<semaphore_mem>>) src(%dma_wait3A_129 : memref<800x3072xf32, #tpu.memory_space<hbm>>) dst(%arg9 : memref<8x3072xf32, #tpu.memory_space<vmem>>)
    %add3A_130 = arith.constant 24 : i32
    %add3A_131 = arith.addi %mul3A_2, %add3A_130 : i32
    %dma_start3A_132 = arith.constant 19 : i32
    %dma_start3A_133 = arith.constant 0 : i32
    %dma_start3A_134 = tpu.memref_slice %arg4[%dma_start3A_132, %add3A_131, %dma_start3A_133] : memref<20x1024x3072xf32, #tpu.memory_space<hbm>> -> memref<1x8x3072xf32, #tpu.memory_space<hbm>>
    %dma_start3A_135 = tpu.memref_squeeze %dma_start3A_134 : memref<1x8x3072xf32, #tpu.memory_space<hbm>> -> memref<8x3072xf32, #tpu.memory_space<hbm>>
    %dma_start3A_136 = arith.constant 0 : i32
    %dma_start3A_137 = tpu.memref_slice %arg4[%dma_start3A_132, %add3A_131, %dma_start3A_136] : memref<20x1024x3072xf32, #tpu.memory_space<hbm>> -> memref<1x8x3072xf32, #tpu.memory_space<hbm>>
    %dma_start3A_138 = tpu.memref_squeeze %dma_start3A_137 : memref<1x8x3072xf32, #tpu.memory_space<hbm>> -> memref<8x3072xf32, #tpu.memory_space<hbm>>
    tpu.enqueue_dma source(%arg9 : memref<8x3072xf32, #tpu.memory_space<vmem>>) target(%dma_start3A_138 : memref<8x3072xf32, #tpu.memory_space<hbm>>) target_semaphore(%arg17 : memref<!tpu.dma_semaphore, #tpu.memory_space<semaphore_mem>>)
    %add3A_139 = arith.constant 0 : i32
    %add3A_140 = arith.addi %mul3A_2, %add3A_139 : i32
    %dma_wait3A_141 = arith.constant 19 : i32
    %dma_wait3A_142 = arith.constant 0 : i32
    %dma_wait3A_143 = tpu.memref_slice %arg4[%dma_wait3A_141, %add3A_140, %dma_wait3A_142] : memref<20x1024x3072xf32, #tpu.memory_space<hbm>> -> memref<1x8x3072xf32, #tpu.memory_space<hbm>>
    %dma_wait3A_144 = tpu.memref_squeeze %dma_wait3A_143 : memref<1x8x3072xf32, #tpu.memory_space<hbm>> -> memref<8x3072xf32, #tpu.memory_space<hbm>>
    %dma_wait3A_145 = arith.constant 0 : i32
    %dma_wait3A_146 = tpu.memref_slice %arg4[%dma_wait3A_141, %add3A_140, %dma_wait3A_145] : memref<20x1024x3072xf32, #tpu.memory_space<hbm>> -> memref<1x8x3072xf32, #tpu.memory_space<hbm>>
    %dma_wait3A_147 = tpu.memref_squeeze %dma_wait3A_146 : memref<1x8x3072xf32, #tpu.memory_space<hbm>> -> memref<8x3072xf32, #tpu.memory_space<hbm>>
    tpu.wait_dma2 semaphore(%arg14 : memref<!tpu.dma_semaphore, #tpu.memory_space<semaphore_mem>>) src(%arg6 : memref<8x3072xf32, #tpu.memory_space<vmem>>) dst(%dma_wait3A_147 : memref<8x3072xf32, #tpu.memory_space<hbm>>)
    %add3A_148 = arith.constant 8 : i32
    %add3A_149 = arith.addi %mul3A_2, %add3A_148 : i32
    %dma_wait3A_150 = arith.constant 19 : i32
    %dma_wait3A_151 = arith.constant 0 : i32
    %dma_wait3A_152 = tpu.memref_slice %arg4[%dma_wait3A_150, %add3A_149, %dma_wait3A_151] : memref<20x1024x3072xf32, #tpu.memory_space<hbm>> -> memref<1x8x3072xf32, #tpu.memory_space<hbm>>
    %dma_wait3A_153 = tpu.memref_squeeze %dma_wait3A_152 : memref<1x8x3072xf32, #tpu.memory_space<hbm>> -> memref<8x3072xf32, #tpu.memory_space<hbm>>
    %dma_wait3A_154 = arith.constant 0 : i32
    %dma_wait3A_155 = tpu.memref_slice %arg4[%dma_wait3A_150, %add3A_149, %dma_wait3A_154] : memref<20x1024x3072xf32, #tpu.memory_space<hbm>> -> memref<1x8x3072xf32, #tpu.memory_space<hbm>>
    %dma_wait3A_156 = tpu.memref_squeeze %dma_wait3A_155 : memref<1x8x3072xf32, #tpu.memory_space<hbm>> -> memref<8x3072xf32, #tpu.memory_space<hbm>>
    tpu.wait_dma2 semaphore(%arg15 : memref<!tpu.dma_semaphore, #tpu.memory_space<semaphore_mem>>) src(%arg7 : memref<8x3072xf32, #tpu.memory_space<vmem>>) dst(%dma_wait3A_156 : memref<8x3072xf32, #tpu.memory_space<hbm>>)
    %add3A_157 = arith.constant 16 : i32
    %add3A_158 = arith.addi %mul3A_2, %add3A_157 : i32
    %dma_wait3A_159 = arith.constant 19 : i32
    %dma_wait3A_160 = arith.constant 0 : i32
    %dma_wait3A_161 = tpu.memref_slice %arg4[%dma_wait3A_159, %add3A_158, %dma_wait3A_160] : memref<20x1024x3072xf32, #tpu.memory_space<hbm>> -> memref<1x8x3072xf32, #tpu.memory_space<hbm>>
    %dma_wait3A_162 = tpu.memref_squeeze %dma_wait3A_161 : memref<1x8x3072xf32, #tpu.memory_space<hbm>> -> memref<8x3072xf32, #tpu.memory_space<hbm>>
    %dma_wait3A_163 = arith.constant 0 : i32
    %dma_wait3A_164 = tpu.memref_slice %arg4[%dma_wait3A_159, %add3A_158, %dma_wait3A_163] : memref<20x1024x3072xf32, #tpu.memory_space<hbm>> -> memref<1x8x3072xf32, #tpu.memory_space<hbm>>
    %dma_wait3A_165 = tpu.memref_squeeze %dma_wait3A_164 : memref<1x8x3072xf32, #tpu.memory_space<hbm>> -> memref<8x3072xf32, #tpu.memory_space<hbm>>
    tpu.wait_dma2 semaphore(%arg16 : memref<!tpu.dma_semaphore, #tpu.memory_space<semaphore_mem>>) src(%arg8 : memref<8x3072xf32, #tpu.memory_space<vmem>>) dst(%dma_wait3A_165 : memref<8x3072xf32, #tpu.memory_space<hbm>>)
    %add3A_166 = arith.constant 24 : i32
    %add3A_167 = arith.addi %mul3A_2, %add3A_166 : i32
    %dma_wait3A_168 = arith.constant 19 : i32
    %dma_wait3A_169 = arith.constant 0 : i32
    %dma_wait3A_170 = tpu.memref_slice %arg4[%dma_wait3A_168, %add3A_167, %dma_wait3A_169] : memref<20x1024x3072xf32, #tpu.memory_space<hbm>> -> memref<1x8x3072xf32, #tpu.memory_space<hbm>>
    %dma_wait3A_171 = tpu.memref_squeeze %dma_wait3A_170 : memref<1x8x3072xf32, #tpu.memory_space<hbm>> -> memref<8x3072xf32, #tpu.memory_space<hbm>>
    %dma_wait3A_172 = arith.constant 0 : i32
    %dma_wait3A_173 = tpu.memref_slice %arg4[%dma_wait3A_168, %add3A_167, %dma_wait3A_172] : memref<20x1024x3072xf32, #tpu.memory_space<hbm>> -> memref<1x8x3072xf32, #tpu.memory_space<hbm>>
    %dma_wait3A_174 = tpu.memref_squeeze %dma_wait3A_173 : memref<1x8x3072xf32, #tpu.memory_space<hbm>> -> memref<8x3072xf32, #tpu.memory_space<hbm>>
    tpu.wait_dma2 semaphore(%arg17 : memref<!tpu.dma_semaphore, #tpu.memory_space<semaphore_mem>>) src(%arg9 : memref<8x3072xf32, #tpu.memory_space<vmem>>) dst(%dma_wait3A_174 : memref<8x3072xf32, #tpu.memory_space<hbm>>)
    return
  }
}

module attributes {stable_mosaic.version = 14 : i64} {
  func.func @_tc_body(%arg0: i32, %arg1: i32, %arg2: memref<1x1x512xi32, #tpu.memory_space<vmem>>, %arg3: memref<200x3072xbf16, #tpu.memory_space<vmem>>, %arg4: memref<200x3072xbf16, #tpu.memory_space<vmem>>, %arg5: memref<20x1024x3072xf32, #tpu.memory_space<any>>, %arg6: memref<1x512x3072xf32, #tpu.memory_space<vmem>>) attributes {dimension_semantics = [#tpu.dimension_semantics<arbitrary>, #tpu.dimension_semantics<arbitrary>], iteration_bounds = array<i64: 10, 2>, scalar_prefetch = 0 : i64, scratch_operands = 0 : i64, tpu.core_type = #tpu.core_type<tc>, window_params = [{transform_indices = @transform_0, window_bounds = array<i64: 1, 1, 512>}, {pipeline_mode = #tpu.pipeline_mode<synchronous>, transform_indices = @transform_1, window_bounds = array<i64: 200, 3072>}, {pipeline_mode = #tpu.pipeline_mode<synchronous>, transform_indices = @transform_2, window_bounds = array<i64: 200, 3072>}, {}, {transform_indices = @transform_4, window_bounds = array<i64: 1, 512, 3072>}]} {
    %get3A = arith.constant 0 : index
    %get3A_0 = arith.constant 0 : index
    %get3A_1 = arith.constant 0 : index
    %get3A_2 = vector.load %arg2[%get3A, %get3A_0, %get3A_1] : memref<1x1x512xi32, #tpu.memory_space<vmem>>, vector<1x1x512xi32>
    %get3A_3 = vector.shape_cast %get3A_2 : vector<1x1x512xi32> to vector<512xi32>
    %broadcast_in_dim3A = vector.shape_cast %get3A_3 : vector<512xi32> to vector<512x1xi32>
    %iota3A = tpu.iota {dimensions = array<i32: 1>} : vector<512x200xi32>
    %eq3A = vector.broadcast %broadcast_in_dim3A : vector<512x1xi32> to vector<512x200xi32>
    %eq3A_4 = arith.cmpi eq, %eq3A, %iota3A : vector<512x200xi32>
    %convert_element_type3A = arith.extui %eq3A_4 : vector<512x200xi1> to vector<512x200xi32>
    %convert_element_type3A_5 = arith.sitofp %convert_element_type3A : vector<512x200xi32> to vector<512x200xf32>
    %convert_element_type3A_6 = arith.truncf %convert_element_type3A_5 : vector<512x200xf32> to vector<512x200xbf16>
    %get3A_7 = arith.constant 0 : index
    %get3A_8 = arith.constant 0 : index
    %get3A_9 = vector.load %arg3[%get3A_7, %get3A_8] : memref<200x3072xbf16, #tpu.memory_space<vmem>>, vector<200x3072xbf16>
    %dot_general3A = arith.constant dense<0.000000e+00> : vector<512x3072xf32>
    %dot_general3A_10 = tpu.matmul %convert_element_type3A_6, %get3A_9, %dot_general3A {dimension_numbers = #tpu.dot_dimension_numbers<[1], [0], [0], [1], [0, 0, 1, 1], [], []>, transpose_lhs_hint = false} : vector<512x200xbf16>, vector<200x3072xbf16>, vector<512x3072xf32> -> vector<512x3072xf32>
    %get3A_11 = arith.constant 0 : index
    %get3A_12 = arith.constant 0 : index
    %get3A_13 = vector.load %arg4[%get3A_11, %get3A_12] : memref<200x3072xbf16, #tpu.memory_space<vmem>>, vector<200x3072xbf16>
    %dot_general3A_14 = arith.constant dense<0.000000e+00> : vector<512x3072xf32>
    %dot_general3A_15 = tpu.matmul %convert_element_type3A_6, %get3A_13, %dot_general3A_14 {dimension_numbers = #tpu.dot_dimension_numbers<[1], [0], [0], [1], [0, 0, 1, 1], [], []>, transpose_lhs_hint = false} : vector<512x200xbf16>, vector<200x3072xbf16>, vector<512x3072xf32> -> vector<512x3072xf32>
    %add3A = arith.addf %dot_general3A_10, %dot_general3A_15 : vector<512x3072xf32>
    %swap3A = arith.constant 0 : index
    %swap3A_16 = arith.constant 0 : index
    %swap3A_17 = arith.constant 0 : index
    %swap3A_18 = vector.load %arg6[%swap3A, %swap3A_16, %swap3A_17] : memref<1x512x3072xf32, #tpu.memory_space<vmem>>, vector<1x512x3072xf32>
    %swap3A_19 = vector.shape_cast %swap3A_18 : vector<1x512x3072xf32> to vector<512x3072xf32>
    %swap3A_20 = vector.shape_cast %add3A : vector<512x3072xf32> to vector<1x512x3072xf32>
    tpu.vector_store %arg6[%swap3A, %swap3A_16, %swap3A_17], %swap3A_20 {strides = array<i32>} : memref<1x512x3072xf32, #tpu.memory_space<vmem>>, vector<1x512x3072xf32>,
    return
  }
  func.func @transform_0(%arg0: i32, %arg1: i32) -> (i32, i32, i32) {
    %c0_i32 = arith.constant 0 : i32
    %c0_i32_0 = arith.constant 0 : i32
    return %arg0, %c0_i32, %arg1 : i32, i32, i32
  }
  func.func @transform_1(%arg0: i32, %arg1: i32) -> (i32, i32) {
    %c0_i32 = arith.constant 0 : i32
    %c0_i32_0 = arith.constant 0 : i32
    %c0_i32_1 = arith.constant 0 : i32
    return %c0_i32, %c0_i32_0 : i32, i32
  }
  func.func @transform_2(%arg0: i32, %arg1: i32) -> (i32, i32) {
    %c0_i32 = arith.constant 0 : i32
    %c0_i32_0 = arith.constant 0 : i32
    %c0_i32_1 = arith.constant 0 : i32
    return %c0_i32, %c0_i32_0 : i32, i32
  }
  func.func @transform_4(%arg0: i32, %arg1: i32) -> (i32, i32, i32) {
    %c0_i32 = arith.constant 0 : i32
    %c0_i32_0 = arith.constant 0 : i32
    return %arg0, %arg1, %c0_i32 : i32, i32, i32
  }
}

</mosaic_0001>

<sc_bundles>
// kernel: kernel.4.cloned.1.call-start
scs
__scs_entry_jumppad:
0x0: {  	(pc) =	sbr.rel $0x88, $3  }
0x1: {  	(tag) =	ssettag $0x0;
	lr =	simm.s32 $0x1  }
0x2: {  	[smem:$0x3F9F] =	sst lr;
	_ =	strace $0xD0000000  }
0x3: {  	_ = 	snop  }
0x4: {  	_ = 	snop  }
0x5: {  	_ = 	snop  }
0x6: {  	_ = 	snop  }
0x7: {  	_ = 	snop  }
__scs_overlays_trampoline_lowered:
0x8: {  	[smem:$0x3FAE] =	sst s0  }
0x9: {  	[smem:$0x3FAF] =	sst s1  }
0xa: {  	[smem:$0x3FB0] =	sst s2  }
0xb: {  	[smem:$0x3FB1] =	sst s3  }
0xc: {  	[smem:$0x3FB2] =	sst s4  }
0xd: {  	[smem:$0x3FB3] =	sst s5  }
0xe: {  	[smem:$0x3FB4] =	sst s6  }
0xf: {  	[smem:$0x3FB5] =	sst s7  }
0x10: {  	[smem:$0x3FB6] =	sst s8  }
0x11: {  	[smem:$0x3FB7] =	sst s9;
	s0 =	simm.s32 @!p0 $0x0  }
0x12: {  	s1 =	sld [smem:$0x3F9D];
	s0 =	simm.s32 @p0 $0x1  }
0x13: {  	[smem:$0x3FB8] =	sst s0;
	s0 =	simm.s32 @!p1 $0x0  }
0x14: {  	s2 =	sld [smem:$0x3F9C];
	s0 =	simm.s32 @p1 $0x1  }
0x15: {  	[smem:$0x3FB9] =	sst s0;
	s0 =	simm.s32 @!p2 $0x0  }
0x16: {  	s3 =	sld [smem:$0x3FDB];
	s0 =	simm.s32 @p2 $0x1  }
0x17: {  	s4 =	simm.s32 $0x1BF5;
	[smem:$0x3FBB] =	sst s0  }
0x18: {  	s0 =	sld [smem:$0x3F9E];
	_ =	swait.ge [sflag:s4], $0x0  }
0x19: {  	s7 =	sld [smem:$0x3F9F]  }
0x1a: {  	s8 =	sadd.s32 $0xFFFFE003, lr  }
0x1b: {  	s9 =	sadd.s32 $0xFFFFFEF7, lr;
	s5 =	simm.s32 $0xFFFFFFFF;
	p2 =	slt.u32 s8, $0xFFFFF086  }
0x1c: {  	p1 =	slt.u32 s9, $0xF7A;
	s5 =	simm.s32 @!p2 $0x0  }
0x1d: {  	s5 =	simm.s32 @p1 $0x1;
	p0 =	seq.s32 s7, s2  }
0x1e: {  	s7 =	smul.u32 @!p0 $0xF7A, s2;
	p2 =	seq.s32 @!p0 s5, $0x0  }
0x1f: {  	s9 =	smul.u32 $0xF7A, s1;
	s8 =	simm.s32 @!p0 $0x1BF5;
	p2 =	por !p2, p0  }
0x20: {  	[sflag:s8] =	ssyncset.s32 @!p0 $0xFFFFF086;
	s6 =	sadd.s32 @!p0 s3, s7;
	s7 =	simm.s32 @!p0 $0x108  }
0x21: {  	s3 =	sadd.s32 s3, s9;
	s6 =	sadd.s32 @!p0 $0x88, s6;
	s7 =	simm.s32 @p2 $0x1082  }
0x22: {  	[simem:s7], [sflag:s8] =	dma.local @!p0 [hbm:s6], $0xF7A  }
0x23: {  	s9 =	sor.u32 $0xD0000000, s2;
	s6 =	simm.s32 $0x108;
	_ =	swait.ge @!p0 [sflag:s8], $0x0  }
0x24: {  	s3 =	sadd.s32 $0x88, s3;
	s6 =	simm.s32 @!p1 $0x1082;
	[sflag:s4] =	ssyncset.s32 $0xFFFFF086  }
0x25: {  	[simem:s6], [sflag:s4] =	dma.local [hbm:s3], $0xF7A  }
0x26: {  	[smem:$0x3F9F] =	sst s1;
	(tag) =	ssettag s2;
	_ =	strace s9  }
0x27: {  	s1 =	sld [smem:$0x3FAF]  }
0x28: {  	s2 =	sld [smem:$0x3FB0]  }
0x29: {  	s4 =	sld [smem:$0x3FB2]  }
0x2a: {  	p0 =	seq.s32 s5, $0x0;
	s5 =	sld [smem:$0x3FB3]  }
0x2b: {  	s6 =	sld [smem:$0x3FB4]  }
0x2c: {  	s7 =	sld [smem:$0x3FB5]  }
0x2d: {  	s3 =	simm.s32 $0x108;
	s8 =	sld [smem:$0x3FB6]  }
0x2e: {  	s3 =	simm.s32 @!p0 $0x1082;
	s9 =	sld [smem:$0x3FB7]  }
0x2f: {  	lr =	sadd.s32 s0, s3;
	s0 =	sld [smem:$0x3FAE]  }
0x30: {  	s3 =	sld [smem:$0x3FB1]  }
0x31: {  	[smem:$0x3FBA] =	sst s10  }
0x32: {  	s10 =	sld [smem:$0x3FB8];
	_ =	sdelay $0x3  }
0x33: {  	p0 =	seq.s32 s10, $0x1;
	s10 =	sld [smem:$0x3FBA];
	_ =	sdelay $0x3  }
0x34: {  	[smem:$0x3FBA] =	sst s10  }
0x35: {  	s10 =	sld [smem:$0x3FB9];
	_ =	sdelay $0x3  }
0x36: {  	p1 =	seq.s32 s10, $0x1;
	s10 =	sld [smem:$0x3FBA];
	_ =	sdelay $0x3  }
0x37: {  	[smem:$0x3FBA] =	sst s10  }
0x38: {  	s10 =	sld [smem:$0x3FBB]  }
0x39: {  	_ = 	snop;
	(pc) =	sbr.ind lr, $3  }
0x3a: {  	_ = 	snop  }
0x3b: {  	_ = 	snop  }
0x3c: {  	p2 =	seq.s32 s10, $0x1;
	s10 =	sld [smem:$0x3FBA]  }
0x3d: {  	_ =	shalt  }
0x3e: {  	_ =	shalt  }
0x3f: {  	_ =	shalt  }
0x40: {  	_ =	shalt  }
0x41: {  	_ =	shalt  }
0x42: {  	_ =	shalt  }
0x43: {  	_ =	shalt  }
0x44: {  	_ =	shalt  }
0x45: {  	_ =	shalt  }
0x46: {  	_ =	shalt  }
0x47: {  	_ =	shalt  }
0x48: {  	_ =	shalt  }
0x49: {  	_ =	shalt  }
0x4a: {  	_ =	shalt  }
0x4b: {  	_ =	shalt  }
0x4c: {  	_ =	shalt  }
0x4d: {  	_ =	shalt  }
0x4e: {  	_ =	shalt  }
0x4f: {  	_ =	shalt  }
0x50: {  	_ =	shalt  }
0x51: {  	_ =	shalt  }
0x52: {  	_ =	shalt  }
0x53: {  	_ =	shalt  }
0x54: {  	_ =	shalt  }
0x55: {  	_ =	shalt  }
0x56: {  	_ =	shalt  }
0x57: {  	_ =	shalt  }
0x58: {  	_ =	shalt  }
0x59: {  	_ =	shalt  }
0x5a: {  	_ =	shalt  }
0x5b: {  	_ =	shalt  }
0x5c: {  	_ =	shalt  }
0x5d: {  	_ =	shalt  }
0x5e: {  	_ =	shalt  }
0x5f: {  	_ =	shalt  }
0x60: {  	_ =	shalt  }
0x61: {  	_ =	shalt  }
0x62: {  	_ =	shalt  }
0x63: {  	_ =	shalt  }
0x64: {  	_ =	shalt  }
0x65: {  	_ =	shalt  }
0x66: {  	_ =	shalt  }
0x67: {  	_ =	shalt  }
0x68: {  	_ =	shalt  }
0x69: {  	_ =	shalt  }
0x6a: {  	_ =	shalt  }
0x6b: {  	_ =	shalt  }
0x6c: {  	_ =	shalt  }
0x6d: {  	_ =	shalt  }
0x6e: {  	_ =	shalt  }
0x6f: {  	_ =	shalt  }
0x70: {  	_ =	shalt  }
0x71: {  	_ =	shalt  }
0x72: {  	_ =	shalt  }
0x73: {  	_ =	shalt  }
0x74: {  	_ =	shalt  }
0x75: {  	_ =	shalt  }
0x76: {  	_ =	shalt  }
0x77: {  	_ =	shalt  }
0x78: {  	_ =	shalt  }
0x79: {  	_ =	shalt  }
0x7a: {  	_ =	shalt  }
0x7b: {  	_ =	shalt  }
0x7c: {  	_ =	shalt  }
0x7d: {  	_ =	shalt  }
0x7e: {  	_ =	shalt  }
0x7f: {  	_ =	shalt  }
0x80: {  	_ =	shalt  }
0x81: {  	_ =	shalt  }
0x82: {  	_ =	shalt  }
0x83: {  	_ =	shalt  }
0x84: {  	_ =	shalt  }
0x85: {  	_ =	shalt  }
0x86: {  	_ =	shalt  }
0x87: {  	_ =	shalt  }
.Lfunc_end0:
.L_simem_size_0:
called_computation_lowered:
.L_overlay_start_0:
0x88: {  	s2 =	sld [smem:$0x3FD9]  }
0x89: {  	s3 =	sld [smem:$0x3FFE];
	_ =	sdelay $0x1  }
0x8a: {  	s1 =	srdreg.scid  }
0x8b: {  	s0 =	sand.u32 $0x1, s1  }
0x8c: {  	s17 =	sshll.u32 s0, $0xA;
	s2 =	sadd.s32 s3, s2  }
0x8d: {  	s2 =	sadd.s32 s2, s17  }
0x8e: {  	[smem:$0x3FC6] =	sst s2  }
0x8f: {  	_ = 	snop  }
0x90: {  	s2 =	sld [smem:$0x3FD0];
	(tm) =	ssettm $0x1  }
0x91: {  	s18 =	sld [smem:$0x3FFB];
	_ =	sdelay $0x3  }
0x92: {  	_ =	strace s18  }
0x93: {  	s3 =	sld [smem:$0x3FFC];
	_ =	sdelay $0x3  }
0x94: {  	_ =	strace s3  }
0x95: {  	s3 =	sld [smem:$0x3FFD];
	_ =	sdelay $0x3  }
0x96: {  	_ =	strace s3  }
0x97: {  	_ =	strace $0x8FFFFFFF  }
0x98: {  	s19 =	sld [smem:$0x3FDB];
	_ =	sdelay $0x1  }
0x99: {  	s4 =	simm.s32 $_scs_section_size  }
0x9a: {  	s5 =	simm.s32 $_size__tile_overlayer_lowered;
	s6 =	simm.s32 $_tile_overlayer_lowered  }
0x9b: {  	s22 =	simm.s32 $0x1BFF;
	s21 =	sshll.u32 s6, $0x1;
	s3 =	sadd.s32 s4, s19  }
0x9c: {  	s7 =	simm.s32 $0x0;
	s20 =	sshll.u32 s5, $0x1;
	s5 =	sadd.s32 s21, s3  }
0x9d: {  	[timem:s7], [sflag:s22] =	dma.local [hbm:s5], s20  }
0x9e: {  	_ =	swait.ge [sflag:s22], s20  }
0x9f: {  	s4 =	ssub.s32 $0x0, s20;
	[sflag:s22] =	ssyncset.done $0x0  }
0xa0: {  	[sflag:s22] =	ssyncadd.s32 s4;
	_ =	sdelay $0x1  }
0xa1: {  	s23 =	simm.s32 $0x1B8B  }
0xa2: {  	_ =	swait.ge [sflag:s23], $0x1  }
0xa3: {  	[sflag:s23] =	ssyncset.done $0x0  }
0xa4: {  	s25 =	simm.s32 $0x1B8E;
	s24 =	sld [smem:$0x3FFE];
	[sflag:s23] =	ssyncadd.s32 $0xFFFFFFFF  }
0xa5: {  	s26 =	simm.s32 $execute0_lowered;
	[smem:$0x3FD2] =	sst s25  }
0xa6: {  	s5 =	sshll.u32 s26, $0x1;
	_ =	strace $0x80000046;
	[dreg:$0x1] =	wrdreg $0xFFFFFFFF  }
0xa7: {  	s28 =	simm.s32 $_size_execute0_lowered;
	s3 =	sadd.s32 s3, s5;
	[dreg:$0x0] =	wrdreg $0x0  }
0xa8: {  	s5 =	sshll.u32 s28, $0x1;
	[dreg:$0x2] =	wrdreg s3  }
0xa9: {  	[dreg:$0x3] =	wrdreg s5  }
0xaa: {  	[dreg:$0x4] =	wrdreg $0xC0  }
0xab: {  	_ =	task [dreg:s7], $0x5FFFF  }
0xac: {  	[dreg:$0x1] =	wrdreg $0xFFFFFFFF  }
0xad: {  	[dreg:$0x0] =	wrdreg $0x60  }
0xae: {  	[dreg:$0x2] =	wrdreg s24  }
0xaf: {  	[dreg:$0x3] =	wrdreg s2  }
0xb0: {  	[dreg:$0x4] =	wrdreg $0x9  }
0xb1: {  	_ =	task.clear_ibuf [dreg:s7], $0x5FFFF;
	_ =	strace $0x90000046  }
0xb2: {  	s29 =	simm.s32 $0x9;
	_ =	strace $0x80000048  }
0xb3: {  	_ =	swait.ge [sflag:s29], $0x1  }
0xb4: {  	[sflag:s29] =	ssyncadd.s32 $0xFFFFFFFF  }
0xb5: {  	_ =	strace $0x90000048  }
0xb6: {  	_ =	sfence  }
0xb7: {  	s30 =	sld [smem:$0x0];
	_ =	sdelay $0x2  }
0xb8: {  	s31 =	sshll.u32 s1, $0xD;
	s1 =	sshrl.u32 s1, $0x2  }
0xb9: {  	s3 =	sand.u32 $0x4000, s31;
	s1 =	sadd.s32 s1, s30  }
0xba: {  	s0 =	sor.u32 s3, s0;
	s1 =	sshll.u32 s1, $0x11  }
0xbb: {  	s0 =	sor.u32 s1, s0  }
0xbc: {  	s0 =	sadd.s32 $0x8F2B, s0  }
0xbd: {  	[sflag:s0] =	ssyncadd.remote.s32 $0x1  }
0xbe: {  	_ =	sfence.sel $0xFFFF  }
0xbf: {  	[dreg:$0x0] =	wrdreg $0xFFFFFFFF;
	(pc) =	sbr.abs _section_cstart, $3  }
0xc0: {  	[dreg:$0x1] =	wrdreg $0xFFFFFFFF  }
0xc1: {  	_ =	task.clear_ibuf [dreg:s7], $0x2FFFF;
	_ =	strace $0x9FFFFFFF  }
0xc2: {  	(tm) =	ssettm $0x7FFFFFFF  }
0xc3: {  	_ =	shalt  }
tec
execute0_lowered:
.L_overlay_start_1:
0x0: {  	(tag) =	ssettag $0x1  }
0x1: {  	s0 =	rddreg [dreg:$0x0]  }
0x2: {  	s1 =	rddreg [dreg:$0x1];
	s2 =	simm.s32 $0x0;
	s3 =	srdreg.scid  }
0x3: {  	s10 =	stileid.u32;
	s29 =	simm.s32 $0x12C00;
	s31 =	simm.s32 $0x1  }
0x4: {  	s28 =	simm.s32 $0x3;
	s30 =	simm.s32 $0x4;
	[smem:$0x7FF] =	sst s2  }
0x5: {  	s4 =	sand.u32 $0x1, s3;
	s3 =	sadd.s32 $0x1600, s0;
	s5 =	sshll.u32 s10, $0x6  }
0x6: {  	s9 =	sshll.u32 s10, $0x1;
	s11 =	smul.u32 $0x30000, s10;
	s10 =	sadd.s32 $0x1A00, s0  }
0x7: {  	s13 =	sadd.s32 $0x1D00, s0;
	_ =	strace $0x80000047;
	s6 =	ssub.s32 $0x2, s4  }
0x8: {  	s7 =	sand.u32 $0x380, s5;
	s18 =	sor.u32 s4, s9;
	s12 =	smul.u32 $0x18000, s4  }
0x9: {  	s9 =	sadd.s32 $0x1900, s0;
	s23 =	sshll.u32 s4, $0x5;
	s7 =	sadd.s32 s7, s0  }
0xa: {  	s8 =	sshrl.u32 s6, $0x1;
	s20 =	sshll.u32 s18, $0x5;
	s19 =	sadd.s32 $0xA00, s7  }
0xb: {  	s18 =	smul.u32 $0x18000, s18;
	s7 =	sadd.s32 $0x1200, s7;
	[dreg:$0x7] =	wrdreg s19  }
0xc: {  	s6 =	ssub.s32 s6, s8;
	s8 =	sadd.s32 $0x1800, s0;
	[dreg:$0x8] =	wrdreg s7  }
0xd: {  	s19 =	sand.u32 $0x60, s20;
	s7 =	sadd.s32 $0x1700, s0;
	s20 =	sadd.s32 s12, s11  }
0xe: {  	s11 =	sadd.s32 $0x1B00, s0;
	s12 =	sadd.s32 $0x1C00, s0;
	s21 =	sor.u32 $0x500, s19  }
0xf: {  	s14 =	sadd.s32 $0x1E00000, s20;
	s16 =	sadd.s32 $0x1E06000, s20;
	s17 =	sadd.s32 $0x1E0C000, s20  }
0x10: {  	s24 =	sor.u32 $0x508, s19;
	s25 =	sadd.s32 $0x1E12000, s20;
	s26 =	sor.u32 $0x510, s19  }
0x11: {  	s20 =	sshrl.u32 s18, $0x3;
	s18 =	simm.s32 $0x7;
	[dreg:$0x9] =	wrdreg s21  }
0x12: {  	s15 =	sshrl.u32 s14, $0x3;
	s14 =	sadd.s32 $0x1E00, s0;
	s16 =	sshrl.u32 s16, $0x3  }
0x13: {  	s21 =	sshrl.u32 s17, $0x3;
	s17 =	sadd.s32 $0x2100, s0;
	[dreg:$0xa] =	wrdreg s24  }
0x14: {  	[dreg:$0xb] =	wrdreg s26;
	s4 =	sshrl.u32 s25, $0x3;
	s26 =	smax.u32 s6, $0x1  }
0x15: {  	s6 =	simm.s32 $0x0;
	s15 =	sadd.s32 s15, s1;
	[dreg:$0x11] =	wrdreg s26  }
0x16: {  	s16 =	sadd.s32 s16, s1;
	s22 =	sadd.s32 s21, s1;
	[dreg:$0x3] =	wrdreg s15  }
0x17: {  	s21 =	sor.u32 $0x518, s19;
	s15 =	sadd.s32 $0x1F00, s0;
	[dreg:$0x4] =	wrdreg s16  }
0x18: {  	s16 =	sadd.s32 $0x2000, s0;
	[dreg:$0x5] =	wrdreg s22;
	s0 =	sor.u32 s23, s5  }
0x19: {  	[dreg:$0xc] =	wrdreg s21;
	s5 =	sadd.s32 s1, s20;
	s1 =	sadd.s32 s4, s1  }
0x1a: {  	s26 =	simm.s32 $0xC00;
	s22 =	sadd.s32 $0x720000, s5;
	[dreg:$0x6] =	wrdreg s1  }
0x1b: {  	s19 =	simm.s32 $0x8;
	s23 =	sadd.s32 $0x720C00, s5;
	[dreg:$0xd] =	wrdreg s22  }
0x1c: {  	s4 =	simm.s32 $0x5;
	s24 =	sadd.s32 $0x721800, s5;
	[dreg:$0xe] =	wrdreg s23  }
0x1d: {  	s25 =	sadd.s32 $0x722400, s5;
	s0 =	sand.u32 $0x60, s0;
	[dreg:$0xf] =	wrdreg s24  }
0x1e: {  	v0 =	vlaneseq.u32;
	s1 =	simm.s32 $0x2;
	s5 =	simm.s32 $0x6;
	[dreg:$0x10] =	wrdreg s25  }
0x1f: {  	v1 =	vshrl.u32 v0, $0x3;
	s0 =	sor.u32 $0x598, s0;
	s22 =	simm.s32 $0x6C00;
	s25 =	simm.s32 $0xCC00  }
0x20: {  	vm0 =	vmmov $0xffff;
	v0 =	vand.u32 $0x7, v0;
	v1 =	vmul.u32 $0x8, v1;
	s24 =	simm.s32 $0x14C00;
	[dreg:$0x12] =	wrdreg s0;
	s0 =	simm.s32 $0x16C00  }
.LBB2_1:
0x21: {  	[dreg:$0x13] =	wrdreg s6  }
0x22: {  	s20 =	rddreg [dreg:$0x7];
	s21 =	simm.s32 $0x400;
	s23 =	simm.s32 $0x2000  }
0x23: {  	[tilespmem:s2], [sflag:$0x9] =	stream.strided.gather [hbm4b:s20+s21], $0x800, s23, s21, $0x38;
	[tilespmem:$0x18C00] =	vst v63  }
0x24: {  	s6 =	simm.s32 $0x9;
	s21 =	rddreg [dreg:$0x8];
	s23 =	simm.s32 $0x800  }
0x25: {  	[tilespmem:s23], [sflag:$0x9] =	stream.linear.gather [hbm4b:s21+s2], $0x200, $0x38;
	[tilespmem:$0x18C00] =	vst v63  }
0x26: {  	_ =	swait.ge [sflag:s6], $0xA00  }
0x27: {  	[sflag:s6] =	ssyncset.done $0x0  }
0x28: {  	s21 =	rddreg [dreg:$0x9];
	[sflag:s6] =	ssyncadd.s32 $0xFFFFF600  }
0x29: {  	v2 =	vld.msk [tilespmem:s21+$0x0], $0xff;
	_ =	sdelay $0x4  }
0x2a: {  	v3 =	vshrl.u32 v2, $0x3  }
0x2b: {  	v3 =	vmul.u32 $0xC0, v3  }
0x2c: {  	v2 =	vand.u32 $0x7, v2  }
0x2d: {  	v2 =	vor.u32 v2, v3  }
0x2e: {  	v2 =	vperm.xlane v2, v0;
	_ =	sdelay $0x1  }
0x2f: {  	v2 =	vadd.s32 v1, v2;
	_ =	sdelay $0x4  }
0x30: {  	[tilespmem:s26], [sflag:$0x1] =	stream.indirect_vreg.gather [hbm4b:s3+s2], $0x80, v2, vm0, $0xb8;
	[tilespmem:$0x18C00] =	vst v63  }
0x31: {  	s23 =	simm.s32 $0x1400  }
0x32: {  	[tilespmem:s23], [sflag:$0x1] =	stream.indirect_vreg.gather [hbm4b:s7+s2], $0x80, v2, vm0, $0xb8;
	[tilespmem:$0x18C00] =	vst v63  }
0x33: {  	s26 =	simm.s32 $0x1C00  }
0x34: {  	[tilespmem:s26], [sflag:$0x1] =	stream.indirect_vreg.gather [hbm4b:s8+s2], $0x80, v2, vm0, $0xb8;
	[tilespmem:$0x18C00] =	vst v63  }
0x35: {  	s20 =	simm.s32 $0x2400  }
0x36: {  	[tilespmem:s20], [sflag:$0x1] =	stream.indirect_vreg.gather [hbm4b:s9+s2], $0x80, v2, vm0, $0xb8;
	[tilespmem:$0x18C00] =	vst v63  }
0x37: {  	s21 =	simm.s32 $0x2C00  }
0x38: {  	[tilespmem:s21], [sflag:$0x1] =	stream.indirect_vreg.gather [hbm4b:s10+s2], $0x80, v2, vm0, $0xb8;
	[tilespmem:$0x18C00] =	vst v63  }
0x39: {  	s23 =	simm.s32 $0x3400  }
0x3a: {  	[tilespmem:s23], [sflag:$0x1] =	stream.indirect_vreg.gather [hbm4b:s11+s2], $0x80, v2, vm0, $0xb8;
	[tilespmem:$0x18C00] =	vst v63  }
0x3b: {  	s26 =	simm.s32 $0x3C00  }
0x3c: {  	[tilespmem:s26], [sflag:$0x1] =	stream.indirect_vreg.gather [hbm4b:s12+s2], $0x80, v2, vm0, $0xb8;
	[tilespmem:$0x18C00] =	vst v63  }
0x3d: {  	s20 =	simm.s32 $0x4400  }
0x3e: {  	[tilespmem:s20], [sflag:$0x1] =	stream.indirect_vreg.gather [hbm4b:s13+s2], $0x80, v2, vm0, $0xb8;
	[tilespmem:$0x18C00] =	vst v63  }
0x3f: {  	s21 =	simm.s32 $0x4C00  }
0x40: {  	[tilespmem:s21], [sflag:$0x1] =	stream.indirect_vreg.gather [hbm4b:s14+s2], $0x80, v2, vm0, $0xb8;
	[tilespmem:$0x18C00] =	vst v63  }
0x41: {  	s23 =	simm.s32 $0x5400  }
0x42: {  	[tilespmem:s23], [sflag:$0x1] =	stream.indirect_vreg.gather [hbm4b:s15+s2], $0x80, v2, vm0, $0xb8;
	[tilespmem:$0x18C00] =	vst v63  }
0x43: {  	s26 =	simm.s32 $0x5C00  }
0x44: {  	[tilespmem:s26], [sflag:$0x1] =	stream.indirect_vreg.gather [hbm4b:s16+s2], $0x80, v2, vm0, $0xb8;
	[tilespmem:$0x18C00] =	vst v63  }
0x45: {  	s20 =	simm.s32 $0x6400;
	s21 =	rddreg [dreg:$0xa]  }
0x46: {  	[tilespmem:s20], [sflag:$0x1] =	stream.indirect_vreg.gather [hbm4b:s17+s2], $0x80, v2, vm0, $0xb8;
	[tilespmem:$0x18C00] =	vst v63  }
0x47: {  	v2 =	vld.msk [tilespmem:s21+$0x0], $0xff;
	_ =	sdelay $0x4  }
0x48: {  	v3 =	vshrl.u32 v2, $0x3  }
0x49: {  	v3 =	vmul.u32 $0xC0, v3  }
0x4a: {  	v2 =	vand.u32 $0x7, v2  }
0x4b: {  	v2 =	vor.u32 v2, v3  }
0x4c: {  	v2 =	vperm.xlane v2, v0;
	_ =	sdelay $0x1  }
0x4d: {  	v2 =	vadd.s32 v1, v2;
	_ =	sdelay $0x4  }
0x4e: {  	[tilespmem:s22], [sflag:$0x2] =	stream.indirect_vreg.gather [hbm4b:s3+s2], $0x80, v2, vm0, $0xb8;
	[tilespmem:$0x18C00] =	vst v63  }
0x4f: {  	s22 =	simm.s32 $0x7400  }
0x50: {  	[tilespmem:s22], [sflag:$0x2] =	stream.indirect_vreg.gather [hbm4b:s7+s2], $0x80, v2, vm0, $0xb8;
	[tilespmem:$0x18C00] =	vst v63  }
0x51: {  	s23 =	simm.s32 $0x7C00  }
0x52: {  	[tilespmem:s23], [sflag:$0x2] =	stream.indirect_vreg.gather [hbm4b:s8+s2], $0x80, v2, vm0, $0xb8;
	[tilespmem:$0x18C00] =	vst v63  }
0x53: {  	s26 =	simm.s32 $0x8400  }
0x54: {  	[tilespmem:s26], [sflag:$0x2] =	stream.indirect_vreg.gather [hbm4b:s9+s2], $0x80, v2, vm0, $0xb8;
	[tilespmem:$0x18C00] =	vst v63  }
0x55: {  	s20 =	simm.s32 $0x8C00  }
0x56: {  	[tilespmem:s20], [sflag:$0x2] =	stream.indirect_vreg.gather [hbm4b:s10+s2], $0x80, v2, vm0, $0xb8;
	[tilespmem:$0x18C00] =	vst v63  }
0x57: {  	s21 =	simm.s32 $0x9400  }
0x58: {  	[tilespmem:s21], [sflag:$0x2] =	stream.indirect_vreg.gather [hbm4b:s11+s2], $0x80, v2, vm0, $0xb8;
	[tilespmem:$0x18C00] =	vst v63  }
0x59: {  	s22 =	simm.s32 $0x9C00  }
0x5a: {  	[tilespmem:s22], [sflag:$0x2] =	stream.indirect_vreg.gather [hbm4b:s12+s2], $0x80, v2, vm0, $0xb8;
	[tilespmem:$0x18C00] =	vst v63  }
0x5b: {  	s23 =	simm.s32 $0xA400  }
0x5c: {  	[tilespmem:s23], [sflag:$0x2] =	stream.indirect_vreg.gather [hbm4b:s13+s2], $0x80, v2, vm0, $0xb8;
	[tilespmem:$0x18C00] =	vst v63  }
0x5d: {  	s26 =	simm.s32 $0xAC00  }
0x5e: {  	[tilespmem:s26], [sflag:$0x2] =	stream.indirect_vreg.gather [hbm4b:s14+s2], $0x80, v2, vm0, $0xb8;
	[tilespmem:$0x18C00] =	vst v63  }
0x5f: {  	s20 =	simm.s32 $0xB400  }
0x60: {  	[tilespmem:s20], [sflag:$0x2] =	stream.indirect_vreg.gather [hbm4b:s15+s2], $0x80, v2, vm0, $0xb8;
	[tilespmem:$0x18C00] =	vst v63  }
0x61: {  	s21 =	simm.s32 $0xBC00  }
0x62: {  	[tilespmem:s21], [sflag:$0x2] =	stream.indirect_vreg.gather [hbm4b:s16+s2], $0x80, v2, vm0, $0xb8;
	[tilespmem:$0x18C00] =	vst v63  }
0x63: {  	s22 =	simm.s32 $0xC400;
	s23 =	rddreg [dreg:$0xb]  }
0x64: {  	[tilespmem:s22], [sflag:$0x2] =	stream.indirect_vreg.gather [hbm4b:s17+s2], $0x80, v2, vm0, $0xb8;
	[tilespmem:$0x18C00] =	vst v63  }
0x65: {  	v2 =	vld.msk [tilespmem:s23+$0x0], $0xff;
	_ =	sdelay $0x4  }
0x66: {  	v3 =	vshrl.u32 v2, $0x3  }
0x67: {  	v3 =	vmul.u32 $0xC0, v3  }
0x68: {  	v2 =	vand.u32 $0x7, v2  }
0x69: {  	v2 =	vor.u32 v2, v3  }
0x6a: {  	v2 =	vperm.xlane v2, v0;
	_ =	sdelay $0x1  }
0x6b: {  	v2 =	vadd.s32 v1, v2;
	_ =	sdelay $0x4  }
0x6c: {  	[tilespmem:s25], [sflag:$0x3] =	stream.indirect_vreg.gather [hbm4b:s3+s2], $0x80, v2, vm0, $0xb8;
	[tilespmem:$0x18C00] =	vst v63  }
0x6d: {  	s26 =	simm.s32 $0xD400  }
0x6e: {  	[tilespmem:s26], [sflag:$0x3] =	stream.indirect_vreg.gather [hbm4b:s7+s2], $0x80, v2, vm0, $0xb8;
	[tilespmem:$0x18C00] =	vst v63  }
0x6f: {  	s20 =	simm.s32 $0xDC00  }
0x70: {  	[tilespmem:s20], [sflag:$0x3] =	stream.indirect_vreg.gather [hbm4b:s8+s2], $0x80, v2, vm0, $0xb8;
	[tilespmem:$0x18C00] =	vst v63  }
0x71: {  	s21 =	simm.s32 $0xE400  }
0x72: {  	[tilespmem:s21], [sflag:$0x3] =	stream.indirect_vreg.gather [hbm4b:s9+s2], $0x80, v2, vm0, $0xb8;
	[tilespmem:$0x18C00] =	vst v63  }
0x73: {  	s22 =	simm.s32 $0xEC00  }
0x74: {  	[tilespmem:s22], [sflag:$0x3] =	stream.indirect_vreg.gather [hbm4b:s10+s2], $0x80, v2, vm0, $0xb8;
	[tilespmem:$0x18C00] =	vst v63  }
0x75: {  	s23 =	simm.s32 $0xF400  }
0x76: {  	[tilespmem:s23], [sflag:$0x3] =	stream.indirect_vreg.gather [hbm4b:s11+s2], $0x80, v2, vm0, $0xb8;
	[tilespmem:$0x18C00] =	vst v63  }
0x77: {  	s25 =	simm.s32 $0xFC00  }
0x78: {  	[tilespmem:s25], [sflag:$0x3] =	stream.indirect_vreg.gather [hbm4b:s12+s2], $0x80, v2, vm0, $0xb8;
	[tilespmem:$0x18C00] =	vst v63  }
0x79: {  	s26 =	simm.s32 $0x10400  }
0x7a: {  	[tilespmem:s26], [sflag:$0x3] =	stream.indirect_vreg.gather [hbm4b:s13+s2], $0x80, v2, vm0, $0xb8;
	[tilespmem:$0x18C00] =	vst v63  }
0x7b: {  	s20 =	simm.s32 $0x10C00  }
0x7c: {  	[tilespmem:s20], [sflag:$0x3] =	stream.indirect_vreg.gather [hbm4b:s14+s2], $0x80, v2, vm0, $0xb8;
	[tilespmem:$0x18C00] =	vst v63  }
0x7d: {  	s21 =	simm.s32 $0x11400  }
0x7e: {  	[tilespmem:s21], [sflag:$0x3] =	stream.indirect_vreg.gather [hbm4b:s15+s2], $0x80, v2, vm0, $0xb8;
	[tilespmem:$0x18C00] =	vst v63  }
0x7f: {  	s22 =	simm.s32 $0x11C00  }
0x80: {  	[tilespmem:s22], [sflag:$0x3] =	stream.indirect_vreg.gather [hbm4b:s16+s2], $0x80, v2, vm0, $0xb8;
	[tilespmem:$0x18C00] =	vst v63  }
0x81: {  	s23 =	simm.s32 $0x12400;
	s25 =	rddreg [dreg:$0xc]  }
0x82: {  	[tilespmem:s23], [sflag:$0x3] =	stream.indirect_vreg.gather [hbm4b:s17+s2], $0x80, v2, vm0, $0xb8;
	[tilespmem:$0x18C00] =	vst v63  }
0x83: {  	v2 =	vld.msk [tilespmem:s25+$0x0], $0xff;
	_ =	sdelay $0x4  }
0x84: {  	v3 =	vshrl.u32 v2, $0x3  }
0x85: {  	v3 =	vmul.u32 $0xC0, v3  }
0x86: {  	v2 =	vand.u32 $0x7, v2  }
0x87: {  	v2 =	vor.u32 v2, v3  }
0x88: {  	v2 =	vperm.xlane v2, v0;
	_ =	sdelay $0x1  }
0x89: {  	v2 =	vadd.s32 v1, v2;
	_ =	sdelay $0x4  }
0x8a: {  	[tilespmem:s29], [sflag:$0x4] =	stream.indirect_vreg.gather [hbm4b:s3+s2], $0x80, v2, vm0, $0xb8;
	[tilespmem:$0x18C00] =	vst v63  }
0x8b: {  	s26 =	simm.s32 $0x13400  }
0x8c: {  	[tilespmem:s26], [sflag:$0x4] =	stream.indirect_vreg.gather [hbm4b:s7+s2], $0x80, v2, vm0, $0xb8;
	[tilespmem:$0x18C00] =	vst v63  }
0x8d: {  	s20 =	simm.s32 $0x13C00  }
0x8e: {  	[tilespmem:s20], [sflag:$0x4] =	stream.indirect_vreg.gather [hbm4b:s8+s2], $0x80, v2, vm0, $0xb8;
	[tilespmem:$0x18C00] =	vst v63  }
0x8f: {  	s21 =	simm.s32 $0x14400  }
0x90: {  	[tilespmem:s21], [sflag:$0x4] =	stream.indirect_vreg.gather [hbm4b:s9+s2], $0x80, v2, vm0, $0xb8;
	[tilespmem:$0x18C00] =	vst v63  }
0x91: {  	_ = 	snop  }
0x92: {  	[tilespmem:s24], [sflag:$0x4] =	stream.indirect_vreg.gather [hbm4b:s10+s2], $0x80, v2, vm0, $0xb8;
	[tilespmem:$0x18C00] =	vst v63  }
0x93: {  	s22 =	simm.s32 $0x15400  }
0x94: {  	[tilespmem:s22], [sflag:$0x4] =	stream.indirect_vreg.gather [hbm4b:s11+s2], $0x80, v2, vm0, $0xb8;
	[tilespmem:$0x18C00] =	vst v63  }
0x95: {  	s23 =	simm.s32 $0x15C00  }
0x96: {  	[tilespmem:s23], [sflag:$0x4] =	stream.indirect_vreg.gather [hbm4b:s12+s2], $0x80, v2, vm0, $0xb8;
	[tilespmem:$0x18C00] =	vst v63  }
0x97: {  	s24 =	simm.s32 $0x16400  }
0x98: {  	[tilespmem:s24], [sflag:$0x4] =	stream.indirect_vreg.gather [hbm4b:s13+s2], $0x80, v2, vm0, $0xb8;
	[tilespmem:$0x18C00] =	vst v63  }
0x99: {  	_ = 	snop  }
0x9a: {  	[tilespmem:s0], [sflag:$0x4] =	stream.indirect_vreg.gather [hbm4b:s14+s2], $0x80, v2, vm0, $0xb8;
	[tilespmem:$0x18C00] =	vst v63  }
0x9b: {  	s25 =	simm.s32 $0x17400  }
0x9c: {  	[tilespmem:s25], [sflag:$0x4] =	stream.indirect_vreg.gather [hbm4b:s15+s2], $0x80, v2, vm0, $0xb8;
	[tilespmem:$0x18C00] =	vst v63  }
0x9d: {  	s26 =	simm.s32 $0x17C00  }
0x9e: {  	[tilespmem:s26], [sflag:$0x4] =	stream.indirect_vreg.gather [hbm4b:s16+s2], $0x80, v2, vm0, $0xb8;
	[tilespmem:$0x18C00] =	vst v63  }
0x9f: {  	s6 =	simm.s32 $0x18400;
	s20 =	rddreg [dreg:$0x12];
	s21 =	simm.s32 $0x0  }
0xa0: {  	[tilespmem:s6], [sflag:$0x4] =	stream.indirect_vreg.gather [hbm4b:s17+s2], $0x80, v2, vm0, $0xb8;
	[tilespmem:$0x18C00] =	vst v63  }
.LBB2_2:
0xa1: {  	_ =	swait.ge [sflag:s31], $0x6000  }
0xa2: {  	s23 =	rddreg [dreg:$0x3];
	[sflag:s31] =	ssyncset.done $0x0  }
0xa3: {  	s22 =	simm.s32 $0xC00;
	[sflag:s31] =	ssyncadd.s32 $0xFFFFA000;
	s23 =	sadd.s32 s21, s23  }
0xa4: {  	[hbm4b:s23+s2] =	stream.linear.scatter [tilespmem:s22], [sflag:$0x5], $0x6000, $0x38;
	[tilespmem:$0x18C00] =	vst v63  }
0xa5: {  	_ =	swait.ge [sflag:s1], $0x6000  }
0xa6: {  	s24 =	rddreg [dreg:$0x4];
	[sflag:s1] =	ssyncset.done $0x0  }
0xa7: {  	[sflag:s1] =	ssyncadd.s32 $0xFFFFA000;
	s23 =	sadd.s32 s21, s24;
	s24 =	simm.s32 $0x6C00  }
0xa8: {  	[hbm4b:s23+s2] =	stream.linear.scatter [tilespmem:s24], [sflag:$0x6], $0x6000, $0x38;
	[tilespmem:$0x18C00] =	vst v63  }
0xa9: {  	_ =	swait.ge [sflag:s28], $0x6000  }
0xaa: {  	s25 =	rddreg [dreg:$0x5];
	[sflag:s28] =	ssyncset.done $0x0  }
0xab: {  	s0 =	simm.s32 $0xCC00;
	[sflag:s28] =	ssyncadd.s32 $0xFFFFA000;
	s23 =	sadd.s32 s21, s25  }
0xac: {  	[hbm4b:s23+s2] =	stream.linear.scatter [tilespmem:s0], [sflag:$0x7], $0x6000, $0x38;
	[tilespmem:$0x18C00] =	vst v63  }
0xad: {  	_ =	swait.ge [sflag:s30], $0x6000  }
0xae: {  	s26 =	rddreg [dreg:$0x6];
	[sflag:s30] =	ssyncset.done $0x0  }
0xaf: {  	[sflag:s30] =	ssyncadd.s32 $0xFFFFA000;
	s23 =	sadd.s32 s21, s26  }
0xb0: {  	[hbm4b:s23+s2] =	stream.linear.scatter [tilespmem:s29], [sflag:$0x8], $0x6000, $0x38;
	[tilespmem:$0x18C00] =	vst v63  }
0xb1: {  	_ =	swait.ge [sflag:s4], $0x6000  }
0xb2: {  	[sflag:s4] =	ssyncset.done $0x0  }
0xb3: {  	[sflag:s4] =	ssyncadd.s32 $0xFFFFA000  }
0xb4: {  	v2 =	vld.msk [tilespmem:s20+$0xFFFFFFE8], $0xff;
	_ =	sdelay $0x4  }
0xb5: {  	v3 =	vshrl.u32 v2, $0x3  }
0xb6: {  	v3 =	vmul.u32 $0xC0, v3  }
0xb7: {  	v2 =	vand.u32 $0x7, v2  }
0xb8: {  	v2 =	vor.u32 v2, v3  }
0xb9: {  	v2 =	vperm.xlane v2, v0;
	_ =	sdelay $0x1  }
0xba: {  	v2 =	vadd.s32 v1, v2;
	_ =	sdelay $0x4  }
0xbb: {  	[tilespmem:s22], [sflag:$0x1] =	stream.indirect_vreg.gather [hbm4b:s3+s2], $0x80, v2, vm0, $0xb8;
	[tilespmem:$0x18C00] =	vst v63  }
0xbc: {  	s23 =	simm.s32 $0x1400  }
0xbd: {  	[tilespmem:s23], [sflag:$0x1] =	stream.indirect_vreg.gather [hbm4b:s7+s2], $0x80, v2, vm0, $0xb8;
	[tilespmem:$0x18C00] =	vst v63  }
0xbe: {  	s25 =	simm.s32 $0x1C00  }
0xbf: {  	[tilespmem:s25], [sflag:$0x1] =	stream.indirect_vreg.gather [hbm4b:s8+s2], $0x80, v2, vm0, $0xb8;
	[tilespmem:$0x18C00] =	vst v63  }
0xc0: {  	s23 =	simm.s32 $0x2400  }
0xc1: {  	[tilespmem:s23], [sflag:$0x1] =	stream.indirect_vreg.gather [hbm4b:s9+s2], $0x80, v2, vm0, $0xb8;
	[tilespmem:$0x18C00] =	vst v63  }
0xc2: {  	s25 =	simm.s32 $0x2C00  }
0xc3: {  	[tilespmem:s25], [sflag:$0x1] =	stream.indirect_vreg.gather [hbm4b:s10+s2], $0x80, v2, vm0, $0xb8;
	[tilespmem:$0x18C00] =	vst v63  }
0xc4: {  	s23 =	simm.s32 $0x3400  }
0xc5: {  	[tilespmem:s23], [sflag:$0x1] =	stream.indirect_vreg.gather [hbm4b:s11+s2], $0x80, v2, vm0, $0xb8;
	[tilespmem:$0x18C00] =	vst v63  }
0xc6: {  	s25 =	simm.s32 $0x3C00  }
0xc7: {  	[tilespmem:s25], [sflag:$0x1] =	stream.indirect_vreg.gather [hbm4b:s12+s2], $0x80, v2, vm0, $0xb8;
	[tilespmem:$0x18C00] =	vst v63  }
0xc8: {  	s23 =	simm.s32 $0x4400  }
0xc9: {  	[tilespmem:s23], [sflag:$0x1] =	stream.indirect_vreg.gather [hbm4b:s13+s2], $0x80, v2, vm0, $0xb8;
	[tilespmem:$0x18C00] =	vst v63  }
0xca: {  	s25 =	simm.s32 $0x4C00  }
0xcb: {  	[tilespmem:s25], [sflag:$0x1] =	stream.indirect_vreg.gather [hbm4b:s14+s2], $0x80, v2, vm0, $0xb8;
	[tilespmem:$0x18C00] =	vst v63  }
0xcc: {  	s23 =	simm.s32 $0x5400  }
0xcd: {  	[tilespmem:s23], [sflag:$0x1] =	stream.indirect_vreg.gather [hbm4b:s15+s2], $0x80, v2, vm0, $0xb8;
	[tilespmem:$0x18C00] =	vst v63  }
0xce: {  	s25 =	simm.s32 $0x5C00  }
0xcf: {  	[tilespmem:s25], [sflag:$0x1] =	stream.indirect_vreg.gather [hbm4b:s16+s2], $0x80, v2, vm0, $0xb8;
	[tilespmem:$0x18C00] =	vst v63  }
0xd0: {  	s23 =	simm.s32 $0x6400  }
0xd1: {  	[tilespmem:s23], [sflag:$0x1] =	stream.indirect_vreg.gather [hbm4b:s17+s2], $0x80, v2, vm0, $0xb8;
	[tilespmem:$0x18C00] =	vst v63  }
0xd2: {  	_ =	swait.ge [sflag:s5], $0x6000  }
0xd3: {  	[sflag:s5] =	ssyncset.done $0x0  }
0xd4: {  	[sflag:s5] =	ssyncadd.s32 $0xFFFFA000  }
0xd5: {  	v2 =	vld.msk [tilespmem:s20+$0xFFFFFFF0], $0xff;
	_ =	sdelay $0x4  }
0xd6: {  	v3 =	vshrl.u32 v2, $0x3  }
0xd7: {  	v3 =	vmul.u32 $0xC0, v3  }
0xd8: {  	v2 =	vand.u32 $0x7, v2  }
0xd9: {  	v2 =	vor.u32 v2, v3  }
0xda: {  	v2 =	vperm.xlane v2, v0;
	_ =	sdelay $0x1  }
0xdb: {  	v2 =	vadd.s32 v1, v2;
	_ =	sdelay $0x4  }
0xdc: {  	[tilespmem:s24], [sflag:$0x2] =	stream.indirect_vreg.gather [hbm4b:s3+s2], $0x80, v2, vm0, $0xb8;
	[tilespmem:$0x18C00] =	vst v63  }
0xdd: {  	s25 =	simm.s32 $0x7400  }
0xde: {  	[tilespmem:s25], [sflag:$0x2] =	stream.indirect_vreg.gather [hbm4b:s7+s2], $0x80, v2, vm0, $0xb8;
	[tilespmem:$0x18C00] =	vst v63  }
0xdf: {  	s25 =	simm.s32 $0x7C00  }
0xe0: {  	[tilespmem:s25], [sflag:$0x2] =	stream.indirect_vreg.gather [hbm4b:s8+s2], $0x80, v2, vm0, $0xb8;
	[tilespmem:$0x18C00] =	vst v63  }
0xe1: {  	s25 =	simm.s32 $0x8400  }
0xe2: {  	[tilespmem:s25], [sflag:$0x2] =	stream.indirect_vreg.gather [hbm4b:s9+s2], $0x80, v2, vm0, $0xb8;
	[tilespmem:$0x18C00] =	vst v63  }
0xe3: {  	s25 =	simm.s32 $0x8C00  }
0xe4: {  	[tilespmem:s25], [sflag:$0x2] =	stream.indirect_vreg.gather [hbm4b:s10+s2], $0x80, v2, vm0, $0xb8;
	[tilespmem:$0x18C00] =	vst v63  }
0xe5: {  	s25 =	simm.s32 $0x9400  }
0xe6: {  	[tilespmem:s25], [sflag:$0x2] =	stream.indirect_vreg.gather [hbm4b:s11+s2], $0x80, v2, vm0, $0xb8;
	[tilespmem:$0x18C00] =	vst v63  }
0xe7: {  	s25 =	simm.s32 $0x9C00  }
0xe8: {  	[tilespmem:s25], [sflag:$0x2] =	stream.indirect_vreg.gather [hbm4b:s12+s2], $0x80, v2, vm0, $0xb8;
	[tilespmem:$0x18C00] =	vst v63  }
0xe9: {  	s25 =	simm.s32 $0xA400  }
0xea: {  	[tilespmem:s25], [sflag:$0x2] =	stream.indirect_vreg.gather [hbm4b:s13+s2], $0x80, v2, vm0, $0xb8;
	[tilespmem:$0x18C00] =	vst v63  }
0xeb: {  	s25 =	simm.s32 $0xAC00  }
0xec: {  	[tilespmem:s25], [sflag:$0x2] =	stream.indirect_vreg.gather [hbm4b:s14+s2], $0x80, v2, vm0, $0xb8;
	[tilespmem:$0x18C00] =	vst v63  }
0xed: {  	s25 =	simm.s32 $0xB400  }
0xee: {  	[tilespmem:s25], [sflag:$0x2] =	stream.indirect_vreg.gather [hbm4b:s15+s2], $0x80, v2, vm0, $0xb8;
	[tilespmem:$0x18C00] =	vst v63  }
0xef: {  	s25 =	simm.s32 $0xBC00  }
0xf0: {  	[tilespmem:s25], [sflag:$0x2] =	stream.indirect_vreg.gather [hbm4b:s16+s2], $0x80, v2, vm0, $0xb8;
	[tilespmem:$0x18C00] =	vst v63  }
0xf1: {  	s25 =	simm.s32 $0xC400  }
0xf2: {  	[tilespmem:s25], [sflag:$0x2] =	stream.indirect_vreg.gather [hbm4b:s17+s2], $0x80, v2, vm0, $0xb8;
	[tilespmem:$0x18C00] =	vst v63  }
0xf3: {  	_ =	swait.ge [sflag:s18], $0x6000  }
0xf4: {  	[sflag:s18] =	ssyncset.done $0x0  }
0xf5: {  	[sflag:s18] =	ssyncadd.s32 $0xFFFFA000  }
0xf6: {  	v2 =	vld.msk [tilespmem:s20+$0xFFFFFFF8], $0xff;
	_ =	sdelay $0x4  }
0xf7: {  	v3 =	vshrl.u32 v2, $0x3  }
0xf8: {  	v3 =	vmul.u32 $0xC0, v3  }
0xf9: {  	v2 =	vand.u32 $0x7, v2  }
0xfa: {  	v2 =	vor.u32 v2, v3  }
0xfb: {  	v2 =	vperm.xlane v2, v0;
	_ =	sdelay $0x1  }
0xfc: {  	v2 =	vadd.s32 v1, v2;
	_ =	sdelay $0x4  }
0xfd: {  	[tilespmem:s0], [sflag:$0x3] =	stream.indirect_vreg.gather [hbm4b:s3+s2], $0x80, v2, vm0, $0xb8;
	[tilespmem:$0x18C00] =	vst v63  }
0xfe: {  	s23 =	simm.s32 $0xD400  }
0xff: {  	[tilespmem:s23], [sflag:$0x3] =	stream.indirect_vreg.gather [hbm4b:s7+s2], $0x80, v2, vm0, $0xb8;
	[tilespmem:$0x18C00] =	vst v63  }
0x100: {  	s23 =	simm.s32 $0xDC00  }
0x101: {  	[tilespmem:s23], [sflag:$0x3] =	stream.indirect_vreg.gather [hbm4b:s8+s2], $0x80, v2, vm0, $0xb8;
	[tilespmem:$0x18C00] =	vst v63  }
0x102: {  	s23 =	simm.s32 $0xE400  }
0x103: {  	[tilespmem:s23], [sflag:$0x3] =	stream.indirect_vreg.gather [hbm4b:s9+s2], $0x80, v2, vm0, $0xb8;
	[tilespmem:$0x18C00] =	vst v63  }
0x104: {  	s23 =	simm.s32 $0xEC00  }
0x105: {  	[tilespmem:s23], [sflag:$0x3] =	stream.indirect_vreg.gather [hbm4b:s10+s2], $0x80, v2, vm0, $0xb8;
	[tilespmem:$0x18C00] =	vst v63  }
0x106: {  	s23 =	simm.s32 $0xF400  }
0x107: {  	[tilespmem:s23], [sflag:$0x3] =	stream.indirect_vreg.gather [hbm4b:s11+s2], $0x80, v2, vm0, $0xb8;
	[tilespmem:$0x18C00] =	vst v63  }
0x108: {  	s23 =	simm.s32 $0xFC00  }
0x109: {  	[tilespmem:s23], [sflag:$0x3] =	stream.indirect_vreg.gather [hbm4b:s12+s2], $0x80, v2, vm0, $0xb8;
	[tilespmem:$0x18C00] =	vst v63  }
0x10a: {  	s23 =	simm.s32 $0x10400  }
0x10b: {  	[tilespmem:s23], [sflag:$0x3] =	stream.indirect_vreg.gather [hbm4b:s13+s2], $0x80, v2, vm0, $0xb8;
	[tilespmem:$0x18C00] =	vst v63  }
0x10c: {  	s23 =	simm.s32 $0x10C00  }
0x10d: {  	[tilespmem:s23], [sflag:$0x3] =	stream.indirect_vreg.gather [hbm4b:s14+s2], $0x80, v2, vm0, $0xb8;
	[tilespmem:$0x18C00] =	vst v63  }
0x10e: {  	s23 =	simm.s32 $0x11400  }
0x10f: {  	[tilespmem:s23], [sflag:$0x3] =	stream.indirect_vreg.gather [hbm4b:s15+s2], $0x80, v2, vm0, $0xb8;
	[tilespmem:$0x18C00] =	vst v63  }
0x110: {  	s23 =	simm.s32 $0x11C00  }
0x111: {  	[tilespmem:s23], [sflag:$0x3] =	stream.indirect_vreg.gather [hbm4b:s16+s2], $0x80, v2, vm0, $0xb8;
	[tilespmem:$0x18C00] =	vst v63  }
0x112: {  	s23 =	simm.s32 $0x12400  }
0x113: {  	[tilespmem:s23], [sflag:$0x3] =	stream.indirect_vreg.gather [hbm4b:s17+s2], $0x80, v2, vm0, $0xb8;
	[tilespmem:$0x18C00] =	vst v63  }
0x114: {  	_ =	swait.ge [sflag:s19], $0x6000  }
0x115: {  	[sflag:s19] =	ssyncset.done $0x0  }
0x116: {  	[sflag:s19] =	ssyncadd.s32 $0xFFFFA000  }
0x117: {  	v2 =	vld.msk [tilespmem:s20+$0x0], $0xff;
	_ =	sdelay $0x4  }
0x118: {  	v3 =	vshrl.u32 v2, $0x3  }
0x119: {  	v3 =	vmul.u32 $0xC0, v3  }
0x11a: {  	v2 =	vand.u32 $0x7, v2  }
0x11b: {  	v2 =	vor.u32 v2, v3  }
0x11c: {  	v2 =	vperm.xlane v2, v0;
	_ =	sdelay $0x1  }
0x11d: {  	v2 =	vadd.s32 v1, v2;
	_ =	sdelay $0x4  }
0x11e: {  	[tilespmem:s29], [sflag:$0x4] =	stream.indirect_vreg.gather [hbm4b:s3+s2], $0x80, v2, vm0, $0xb8;
	[tilespmem:$0x18C00] =	vst v63  }
0x11f: {  	s23 =	simm.s32 $0x13400  }
0x120: {  	[tilespmem:s23], [sflag:$0x4] =	stream.indirect_vreg.gather [hbm4b:s7+s2], $0x80, v2, vm0, $0xb8;
	[tilespmem:$0x18C00] =	vst v63  }
0x121: {  	s23 =	simm.s32 $0x13C00  }
0x122: {  	[tilespmem:s23], [sflag:$0x4] =	stream.indirect_vreg.gather [hbm4b:s8+s2], $0x80, v2, vm0, $0xb8;
	[tilespmem:$0x18C00] =	vst v63  }
0x123: {  	s23 =	simm.s32 $0x14400  }
0x124: {  	[tilespmem:s23], [sflag:$0x4] =	stream.indirect_vreg.gather [hbm4b:s9+s2], $0x80, v2, vm0, $0xb8;
	[tilespmem:$0x18C00] =	vst v63  }
0x125: {  	s24 =	simm.s32 $0x14C00  }
0x126: {  	[tilespmem:s24], [sflag:$0x4] =	stream.indirect_vreg.gather [hbm4b:s10+s2], $0x80, v2, vm0, $0xb8;
	[tilespmem:$0x18C00] =	vst v63  }
0x127: {  	s23 =	simm.s32 $0x15400  }
0x128: {  	[tilespmem:s23], [sflag:$0x4] =	stream.indirect_vreg.gather [hbm4b:s11+s2], $0x80, v2, vm0, $0xb8;
	[tilespmem:$0x18C00] =	vst v63  }
0x129: {  	s23 =	simm.s32 $0x15C00  }
0x12a: {  	[tilespmem:s23], [sflag:$0x4] =	stream.indirect_vreg.gather [hbm4b:s12+s2], $0x80, v2, vm0, $0xb8;
	[tilespmem:$0x18C00] =	vst v63  }
0x12b: {  	s23 =	simm.s32 $0x16400  }
0x12c: {  	[tilespmem:s23], [sflag:$0x4] =	stream.indirect_vreg.gather [hbm4b:s13+s2], $0x80, v2, vm0, $0xb8;
	[tilespmem:$0x18C00] =	vst v63  }
0x12d: {  	s0 =	simm.s32 $0x16C00  }
0x12e: {  	[tilespmem:s0], [sflag:$0x4] =	stream.indirect_vreg.gather [hbm4b:s14+s2], $0x80, v2, vm0, $0xb8;
	[tilespmem:$0x18C00] =	vst v63  }
0x12f: {  	p0 =	sne.s32 s21, $0x300000;
	s23 =	simm.s32 $0x17400  }
0x130: {  	[tilespmem:s23], [sflag:$0x4] =	stream.indirect_vreg.gather [hbm4b:s15+s2], $0x80, v2, vm0, $0xb8;
	[tilespmem:$0x18C00] =	vst v63  }
.Ltmp0:
0x131: {  	_ = 	snop;
	(pc) =	sbr.rel @p0 .LBB2_2-.Ltmp0, $4  }
0x132: {  	s26 =	simm.s32 $0xC00;
	s21 =	sadd.s32 $0x60000, s21;
	s23 =	simm.s32 $0x17C00  }
0x133: {  	[tilespmem:s23], [sflag:$0x4] =	stream.indirect_vreg.gather [hbm4b:s16+s2], $0x80, v2, vm0, $0xb8;
	[tilespmem:$0x18C00] =	vst v63  }
0x134: {  	s22 =	simm.s32 $0x6C00;
	s25 =	simm.s32 $0xCC00;
	s20 =	sadd.s32 $0x80, s20  }
0x135: {  	[tilespmem:s6], [sflag:$0x4] =	stream.indirect_vreg.gather [hbm4b:s17+s2], $0x80, v2, vm0, $0xb8;
	[tilespmem:$0x18C00] =	vst v63  }
0x136: {  	_ =	swait.ge [sflag:s31], $0x6000  }
0x137: {  	[sflag:s31] =	ssyncset.done $0x0  }
0x138: {  	s20 =	rddreg [dreg:$0xd];
	[sflag:s31] =	ssyncadd.s32 $0xFFFFA000  }
0x139: {  	[hbm4b:s20+s2] =	stream.linear.scatter [tilespmem:s26], [sflag:$0x5], $0x6000, $0x38;
	[tilespmem:$0x18C00] =	vst v63  }
0x13a: {  	_ =	swait.ge [sflag:s1], $0x6000  }
0x13b: {  	[sflag:s1] =	ssyncset.done $0x0  }
0x13c: {  	s23 =	rddreg [dreg:$0xe];
	[sflag:s1] =	ssyncadd.s32 $0xFFFFA000  }
0x13d: {  	[hbm4b:s23+s2] =	stream.linear.scatter [tilespmem:s22], [sflag:$0x6], $0x6000, $0x38;
	[tilespmem:$0x18C00] =	vst v63  }
0x13e: {  	_ =	swait.ge [sflag:s28], $0x6000  }
0x13f: {  	[sflag:s28] =	ssyncset.done $0x0  }
0x140: {  	s6 =	rddreg [dreg:$0xf];
	[sflag:s28] =	ssyncadd.s32 $0xFFFFA000  }
0x141: {  	[hbm4b:s6+s2] =	stream.linear.scatter [tilespmem:s25], [sflag:$0x7], $0x6000, $0x38;
	[tilespmem:$0x18C00] =	vst v63  }
0x142: {  	_ =	swait.ge [sflag:s30], $0x6000  }
0x143: {  	[sflag:s30] =	ssyncset.done $0x0  }
0x144: {  	s21 =	rddreg [dreg:$0x10];
	[sflag:s30] =	ssyncadd.s32 $0xFFFFA000  }
0x145: {  	[hbm4b:s21+s2] =	stream.linear.scatter [tilespmem:s29], [sflag:$0x8], $0x6000, $0x38;
	[tilespmem:$0x18C00] =	vst v63  }
0x146: {  	_ =	swait.ge [sflag:s4], $0x6000  }
0x147: {  	[sflag:s4] =	ssyncset.done $0x0  }
0x148: {  	[sflag:s4] =	ssyncadd.s32 $0xFFFFA000  }
0x149: {  	_ =	swait.ge [sflag:s5], $0x6000  }
0x14a: {  	[sflag:s5] =	ssyncset.done $0x0  }
0x14b: {  	[sflag:s5] =	ssyncadd.s32 $0xFFFFA000  }
0x14c: {  	_ =	swait.ge [sflag:s18], $0x6000  }
0x14d: {  	[sflag:s18] =	ssyncset.done $0x0  }
0x14e: {  	[sflag:s18] =	ssyncadd.s32 $0xFFFFA000  }
0x14f: {  	_ =	swait.ge [sflag:s19], $0x6000  }
0x150: {  	s6 =	rddreg [dreg:$0x13]  }
0x151: {  	s23 =	rddreg [dreg:$0x11];
	s6 =	sadd.s32 $0x1, s6  }
0x152: {  	p0 =	sne.s32 s6, s23  }
.Ltmp1:
0x153: {  	_ = 	snop;
	(pc) =	sbr.rel @p0 .LBB2_1-.Ltmp1, $3  }
0x154: {  	_ =	sdelay $0x1  }
0x155: {  	[sflag:s19] =	ssyncset.done $0x0  }
0x156: {  	[sflag:s19] =	ssyncadd.s32 $0xFFFFA000  }
0x157: {  	_ =	sfence.sel $0x180000  }
0x158: {  	[bflag:$0x0] =	sbarrier.arrive $0xFFFF  }
0x159: {  	_ =	strace $0x90000047  }
0x15a: {  	s0 =	stileid.u32;
	[bflag:$0x2] =	sbarrier.arrive $0xFFFF  }
0x15b: {  	p0 =	sne.s32 s0, $0x0;
	s0 =	rddreg [dreg:$0x2]  }
0x15c: {  	s0 =	sadd.s32 @!p0 $0x100000, s0  }
0x15d: {  	[sflag:s0] =	ssyncadd.tile.s32 @!p0 $0x1;
	_ =	shalt  }
.Lfunc_end2:
_tile_overlayer_lowered:
.L_overlay_start_2:
0x15e: {  	(tag) =	ssettag $0x2  }
0x15f: {  	s0 =	rddreg [dreg:$0x0];
	s2 =	stileid.u32  }
0x160: {  	s1 =	rddreg [dreg:$0x1];
	p0 =	sne.s32 s2, $0x0  }
0x161: {  	s3 =	rddreg [dreg:$0x2];
	[bflag:$0x3] =	sbarrier.arrive $0xFFFF;
	s2 =	simm.s32 @!p0 $0x1C09  }
0x162: {  	[timem:s3], [sflag:s2] =	dma.local @!p0 [hbm:s0], s1  }
0x163: {  	s0 =	simm.s32 @!p0 $0x9  }
0x164: {  	_ =	swait.ge @!p0 [sflag:s0], s1  }
0x165: {  	s1 =	ssub.s32 @!p0 $0x0, s1;
	[sflag:s0] =	ssyncset.done @!p0 $0x0  }
0x166: {  	[sflag:s0] =	ssyncadd.s32 @!p0 s1  }
0x167: {  	[bflag:$0x3] =	sbarrier.arrive $0xFFFF  }
0x168: {  	_ =	shalt  }

</sc_bundles>
